<compile_context>
chip_gen: v7x
topology: tpu7x:2x2x1
jax: 0.10.2.dev20260603
libtpu: 0.0.44.dev20260713+nightly
codegen_flags: <defaults>
</compile_context>

<pallas_src>
import functools

import jax
import jax.numpy as jnp
from jax import lax
from jax.experimental import pallas as pl
from jax.experimental.pallas import tpu as pltpu
from jax.experimental.pallas import tpu_sc as plsc

N = 10000
NFEAT = 128
NHID = 128
NCLASS = 40
E = 320000
BN_EPS = 1e-5

NC = 2
NS = 16
NW = NC * NS
EPW = E // NW
NPAD = 10240
RPS = NPAD // NS

_PARAMS = {NFEAT: (80, 4, 2, True), NCLASS: (80, 8, 3, False)}
BC = 5



RB = 1280


def _mid_body(p_ref, w0_ref, b0_ref, gam_ref, bet_ref, mu_ref, var_ref,
              w2_ref, o_ref):
    agg = jnp.dot(p_ref[0] + p_ref[1], w0_ref[...],
                  preferred_element_type=jnp.float32) + b0_ref[...]
    scale = gam_ref[...] * lax.rsqrt(var_ref[...] + BN_EPS)
    shift = bet_ref[...] - mu_ref[...] * scale
    h = jnp.maximum(agg * scale + shift, 0.0)
    o_ref[...] = jnp.dot(h, w2_ref[...], preferred_element_type=jnp.float32)


def _fin_body(q_ref, b2_ref, o_ref):
    o_ref[...] = q_ref[0] + q_ref[1] + b2_ref[...]


def _vec(shape):
    return pl.BlockSpec(shape, lambda i: (0,) * len(shape))


_mid = pl.pallas_call(
    _mid_body,
    grid=(NPAD // RB,),
    in_specs=[
        pl.BlockSpec((2, RB, NFEAT), lambda i: (0, i, 0)),
        _vec((NFEAT, NHID)), _vec((NHID,)), _vec((NHID,)), _vec((NHID,)),
        _vec((NHID,)), _vec((NHID,)), _vec((NHID, NCLASS)),
    ],
    out_specs=pl.BlockSpec((RB, NCLASS), lambda i: (i, 0)),
    out_shape=jax.ShapeDtypeStruct((NPAD, NCLASS), jnp.float32))

_fin = pl.pallas_call(
    _fin_body,
    grid=(NPAD // RB,),
    in_specs=[
        pl.BlockSpec((2, RB, NCLASS), lambda i: (0, i, 0)),
        _vec((NCLASS,)),
    ],
    out_specs=pl.BlockSpec((RB, NCLASS), lambda i: (i, 0)),
    out_shape=jax.ShapeDtypeStruct((NPAD, NCLASS), jnp.float32))



@functools.cache
def _make_agg(D, interpret=False):
    K, NB, SD, stream_idx = _PARAMS[D]
    GA = NB - SD
    nchunk = EPW // K
    mesh = plsc.VectorSubcoreMesh(core_axis_name="c", subcore_axis_name="s",
                                  num_cores=NC, num_subcores=NS)
    if stream_idx:
        idx_shape = (3, BC * K)
        nblk = nchunk // BC
        assert GA <= BC
    else:
        idx_shape = (EPW,)

    @functools.partial(
        pl.kernel,
        out_type=jax.ShapeDtypeStruct((NC, NPAD, D), jnp.float32),
        mesh=mesh,
        scratch_types=[
            pltpu.VMEM_SHARED((NPAD, D), jnp.float32),
            pltpu.VMEM(idx_shape, jnp.int32),
            pltpu.VMEM(idx_shape, jnp.int32),
            pltpu.VMEM((NB, K, D), jnp.float32),
            pltpu.SemaphoreType.DMA,
            pltpu.SemaphoreType.DMA,
            pltpu.SemaphoreType.DMA,
        ],
        compiler_params=pltpu.CompilerParams(use_tc_tiling_on_sc=False),
        interpret=interpret,
    )
    def agg(h_hbm, edge_hbm, zeros_hbm, out_hbm,
            acc, src_v, dst_v, rows, gsem, ssem, isem):
        c = lax.axis_index("c")
        s = lax.axis_index("s")
        wid = c * NS + s
        ebase = pl.multiple_of(wid * EPW, 8)
        off = pl.multiple_of(s * RPS, 8)
        pltpu.sync_copy(zeros_hbm, acc.at[pl.ds(off, RPS)])

        def scat_wait():
            pltpu.make_async_copy(rows.at[0], acc.at[pl.ds(0, K)],
                                  ssem).wait()

        if not stream_idx:
            pltpu.sync_copy(edge_hbm.at[0, pl.ds(ebase, EPW)], src_v)
            pltpu.sync_copy(edge_hbm.at[1, pl.ds(ebase, EPW)], dst_v)
            plsc.subcore_barrier()
            for p in range(GA):
                pltpu.async_copy(h_hbm.at[src_v.at[pl.ds(p * K, K)]],
                                 rows.at[p], gsem)

            def body(j, carry):
                b = lax.rem(j, NB)
                jK = pl.multiple_of(j * K, 8)
                pltpu.make_async_copy(h_hbm.at[src_v.at[pl.ds(jK, K)]],
                                      rows.at[b], gsem).wait()

                @pl.when(j >= SD)
                def _():
                    scat_wait()

                @pl.when(j < nchunk - GA)
                def _():
                    gK = pl.multiple_of((j + GA) * K, 8)
                    pltpu.async_copy(h_hbm.at[src_v.at[pl.ds(gK, K)]],
                                     rows.at[lax.rem(j + GA, NB)], gsem)

                pltpu.async_copy(rows.at[b],
                                 acc.at[dst_v.at[pl.ds(jK, K)]], ssem,
                                 add=True)
                return carry

            lax.fori_loop(0, nchunk, body, 0)
        else:
            BCK = BC * K
            pltpu.sync_copy(edge_hbm.at[0, pl.ds(ebase, BCK)], src_v.at[0])
            pltpu.sync_copy(edge_hbm.at[1, pl.ds(ebase, BCK)], dst_v.at[0])
            plsc.subcore_barrier()
            for p in range(GA):
                pltpu.async_copy(h_hbm.at[src_v.at[0, pl.ds(p * K, K)]],
                                 rows.at[p], gsem)
            pltpu.async_copy(edge_hbm.at[0, pl.ds(ebase + BCK, BCK)],
                             src_v.at[1], isem)
            pltpu.async_copy(edge_hbm.at[1, pl.ds(ebase + BCK, BCK)],
                             dst_v.at[1], isem)

            def blk_body(blk, carry):
                pb = lax.rem(blk, 3)
                pbn = lax.rem(blk + 1, 3)
                j0 = blk * BC
                for r in range(BC):
                    j = j0 + r
                    b = lax.rem(j, NB)
                    pltpu.make_async_copy(
                        h_hbm.at[src_v.at[pb, pl.ds(r * K, K)]],
                        rows.at[b], gsem).wait()

                    @pl.when(j >= SD)
                    def _():
                        scat_wait()

                    if r == BC - GA:
                        @pl.when(blk < nblk - 1)
                        def _():
                            pltpu.make_async_copy(
                                edge_hbm.at[0, pl.ds(ebase, BCK)],
                                src_v.at[pbn], isem).wait()
                            pltpu.make_async_copy(
                                edge_hbm.at[1, pl.ds(ebase, BCK)],
                                dst_v.at[pbn], isem).wait()

                        @pl.when(blk < nblk - 2)
                        def _():
                            nxt = ebase + (blk + 2) * BCK
                            pltpu.async_copy(
                                edge_hbm.at[0, pl.ds(nxt, BCK)],
                                src_v.at[lax.rem(blk + 2, 3)], isem)
                            pltpu.async_copy(
                                edge_hbm.at[1, pl.ds(nxt, BCK)],
                                dst_v.at[lax.rem(blk + 2, 3)], isem)

                    if r + GA < BC:
                        gsrc = src_v.at[pb, pl.ds((r + GA) * K, K)]
                    else:
                        gsrc = src_v.at[pbn, pl.ds((r + GA - BC) * K, K)]

                    @pl.when(j < nchunk - GA)
                    def _():
                        pltpu.async_copy(h_hbm.at[gsrc],
                                         rows.at[lax.rem(j + GA, NB)],
                                         gsem)

                    pltpu.async_copy(
                        rows.at[b],
                        acc.at[dst_v.at[pb, pl.ds(r * K, K)]], ssem,
                        add=True)
                return carry

            lax.fori_loop(0, nblk, blk_body, 0)

        for _ in range(SD):
            scat_wait()
        plsc.subcore_barrier()
        pltpu.sync_copy(acc.at[pl.ds(off, RPS)],
                        out_hbm.at[c, pl.ds(off, RPS)])

    return agg


def kernel(x, edge_index, W0, b0, bn_gamma, bn_beta, bn_mean, bn_var, W2,
           b2):
    _agg_hid = _make_agg(NFEAT)
    _agg_cls = _make_agg(NCLASS)
    zeros_hid = jnp.zeros((RPS, NFEAT), jnp.float32)
    zeros_cls = jnp.zeros((RPS, NCLASS), jnp.float32)

    p1 = _agg_hid(x, edge_index, zeros_hid)
    h2 = _mid(p1, W0, b0, bn_gamma, bn_beta, bn_mean, bn_var, W2)
    p2 = _agg_cls(h2, edge_index, zeros_cls)
    return _fin(p2, b2)[:N]

# --- scband reference (transcript-rebuilt; emitter-appended) ---
"""Pipeline reference for scband-gcn-52183852646433 (READ-ONLY COPY).

The authoritative reference and input builder live on the scoring server;
editing this copy changes nothing except your own understanding.
"""

import jax, jax.numpy as jnp
import numpy as np

N = 10000
E = 320000
NFEAT = 128
NHID = 128
NCLASS = 40
BN_EPS = 1e-5


def setup_inputs(seed: int = 0) -> dict:
    key = jax.random.key(seed)
    ks = jax.random.split(key, 8)
    x = jax.random.normal(ks[0], (N, NFEAT), dtype=jnp.float32)
    edge_index = jax.random.randint(ks[1], (2, E), 0, N, dtype=jnp.int32)
    # GCNConv layer 0: nfeat -> nhid (glorot-ish scaling)
    W0 = jax.random.normal(ks[2], (NFEAT, NHID), dtype=jnp.float32) * (1.0 / np.sqrt(NFEAT))
    b0 = jnp.zeros((NHID,), dtype=jnp.float32)
    # BatchNorm1d(nhid) params, eval-mode running stats
    bn_gamma = jnp.ones((NHID,), dtype=jnp.float32)
    bn_beta = jnp.zeros((NHID,), dtype=jnp.float32)
    bn_mean = jnp.zeros((NHID,), dtype=jnp.float32)
    bn_var = jnp.ones((NHID,), dtype=jnp.float32)
    # Final GCNConv layer: nhid -> nclass (due to early return in the loop,
    # only gcn_layers[0] and gcn_layers[-1] are ever applied)
    W2 = jax.random.normal(ks[3], (NHID, NCLASS), dtype=jnp.float32) * (1.0 / np.sqrt(NHID))
    b2 = jnp.zeros((NCLASS,), dtype=jnp.float32)
    return {"x": x, "edge_index": edge_index, "W0": W0, "b0": b0,
            "bn_gamma": bn_gamma, "bn_beta": bn_beta, "bn_mean": bn_mean,
            "bn_var": bn_var, "W2": W2, "b2": b2}


def _gcn_conv(x, edge_index, W, b):
    # GCNConv with normalize=False (save_mem=True): linear transform,
    # then unnormalized sum aggregation over edges (src -> dst), then bias.
    h = x @ W
    msg = jnp.take(h, edge_index[0], axis=0)          # gather messages at src
    out = jax.ops.segment_sum(msg, edge_index[1], num_segments=N)  # scatter-add at dst
    return out + b


def reference(x, edge_index, W0, b0, bn_gamma, bn_beta, bn_mean, bn_var, W2, b2):
    # Faithful to the module's forward: due to the `return x` inside the loop,
    # only the first layer (+ BN + relu + dropout) and the last layer run.
    h = _gcn_conv(x, edge_index, W0, b0)
    # BatchNorm1d in eval mode (running stats); dropout is identity in eval.
    h = (h - bn_mean) / jnp.sqrt(bn_var + BN_EPS) * bn_gamma + bn_beta
    h = jax.nn.relu(h)
    out = _gcn_conv(h, edge_index, W2, b2)
    return out

if __name__ == "__main__":
    import jax
    _d = setup_inputs()
    print(jax.jit(kernel)(*tuple(_d.values())))

</pallas_src>

<mosaic_0001>
#map = affine_map<(d0, d1) -> (0, 0)>
#map1 = affine_map<(d0, d1) -> (0, 0, 0)>
module attributes {stable_mosaic.version = 14 : i64} {
  func.func @agg(%arg0: i32, %arg1: i32, %arg2: memref<10000x128xf32, #tpu.memory_space<hbm>>, %arg3: memref<2x320000xi32, #tpu.memory_space<hbm>>, %arg4: memref<640x128xf32, #tpu.memory_space<hbm>>, %arg5: memref<2x10240x128xf32, #tpu.memory_space<hbm>>, %arg6: memref<10240x128xf32, #tpu.memory_space<vmem_shared>>, %arg7: memref<3x400xi32, #tpu.memory_space<vmem>>, %arg8: memref<3x400xi32, #tpu.memory_space<vmem>>, %arg9: memref<4x80x128xf32, #tpu.memory_space<vmem>>, %arg10: memref<!tpu.dma_semaphore, #tpu.memory_space<semaphore_mem>>, %arg11: memref<!tpu.dma_semaphore, #tpu.memory_space<semaphore_mem>>, %arg12: memref<!tpu.dma_semaphore, #tpu.memory_space<semaphore_mem>>) attributes {dimension_semantics = [#tpu.dimension_semantics<core_parallel>, #tpu.dimension_semantics<subcore_parallel>], iteration_bounds = array<i64: 2, 16>, scalar_prefetch = 0 : i64, scratch_operands = 7 : i64, tpu.core_type = #tpu.core_type<sc_vector_subcore>, window_params = [{transform_indices = #map}, {transform_indices = #map}, {transform_indices = #map}, {transform_indices = #map1}]} {
    %mul3A = arith.constant 16 : i32
    %mul3A_0 = arith.muli %arg0, %mul3A : i32
    %add3A = arith.addi %mul3A_0, %arg1 : i32
    %mul3A_1 = arith.constant 10000 : i32
    %mul3A_2 = arith.muli %add3A, %mul3A_1 : i32
    %multiple_of3A = tpu.assume_multiple %mul3A_2, 8 : i32
    %mul3A_3 = arith.constant 640 : i32
    %mul3A_4 = arith.muli %arg1, %mul3A_3 : i32
    %multiple_of3A_5 = tpu.assume_multiple %mul3A_4, 8 : i32
    "tpu.region"() ({
      %run_scoped3A_95 = tpu.sem_alloc : memref<!tpu.dma_semaphore, #tpu.memory_space<semaphore_mem>>
      %dma_start3A_96 = arith.constant 0 : i32
      %dma_start3A_97 = tpu.memref_slice %arg6[%multiple_of3A_5, %dma_start3A_96] : memref<10240x128xf32, #tpu.memory_space<vmem_shared>> -> memref<640x128xf32, #tpu.memory_space<vmem_shared>>
      tpu.enqueue_dma source(%arg4 : memref<640x128xf32, #tpu.memory_space<hbm>>) target(%dma_start3A_97 : memref<640x128xf32, #tpu.memory_space<vmem_shared>>) target_semaphore(%run_scoped3A_95 : memref<!tpu.dma_semaphore, #tpu.memory_space<semaphore_mem>>)
      %dma_wait3A_98 = arith.constant 0 : i32
      %dma_wait3A_99 = tpu.memref_slice %arg6[%multiple_of3A_5, %dma_wait3A_98] : memref<10240x128xf32, #tpu.memory_space<vmem_shared>> -> memref<640x128xf32, #tpu.memory_space<vmem_shared>>
      tpu.wait_dma2 semaphore(%run_scoped3A_95 : memref<!tpu.dma_semaphore, #tpu.memory_space<semaphore_mem>>) src(%arg4 : memref<640x128xf32, #tpu.memory_space<hbm>>) dst(%dma_wait3A_99 : memref<640x128xf32, #tpu.memory_space<vmem_shared>>)
      tpu.yield
    }) : () -> ()
    %run_scoped3A = arith.constant 0 : i32
    %run_scoped3A_6 = arith.constant 0 : i32
    "tpu.region"() ({
      %run_scoped3A_95 = tpu.sem_alloc : memref<!tpu.dma_semaphore, #tpu.memory_space<semaphore_mem>>
      %dma_start3A_96 = arith.constant 0 : i32
      %dma_start3A_97 = tpu.memref_slice %arg7[%run_scoped3A_6, %dma_start3A_96] : memref<3x400xi32, #tpu.memory_space<vmem>> -> memref<1x400xi32, #tpu.memory_space<vmem>>
      %dma_start3A_98 = tpu.memref_squeeze %dma_start3A_97 : memref<1x400xi32, #tpu.memory_space<vmem>> -> memref<400xi32, #tpu.memory_space<vmem>>
      %dma_start3A_99 = tpu.memref_slice %arg3[%run_scoped3A, %multiple_of3A] : memref<2x320000xi32, #tpu.memory_space<hbm>> -> memref<1x400xi32, #tpu.memory_space<hbm>>
      %dma_start3A_100 = tpu.memref_squeeze %dma_start3A_99 : memref<1x400xi32, #tpu.memory_space<hbm>> -> memref<400xi32, #tpu.memory_space<hbm>>
      %dma_start3A_101 = arith.constant 0 : i32
      %dma_start3A_102 = tpu.memref_slice %arg7[%run_scoped3A_6, %dma_start3A_101] : memref<3x400xi32, #tpu.memory_space<vmem>> -> memref<1x400xi32, #tpu.memory_space<vmem>>
      %dma_start3A_103 = tpu.memref_squeeze %dma_start3A_102 : memref<1x400xi32, #tpu.memory_space<vmem>> -> memref<400xi32, #tpu.memory_space<vmem>>
      %dma_start3A_104 = tpu.memref_slice %arg3[%run_scoped3A, %multiple_of3A] : memref<2x320000xi32, #tpu.memory_space<hbm>> -> memref<1x400xi32, #tpu.memory_space<hbm>>
      %dma_start3A_105 = tpu.memref_squeeze %dma_start3A_104 : memref<1x400xi32, #tpu.memory_space<hbm>> -> memref<400xi32, #tpu.memory_space<hbm>>
      tpu.enqueue_dma source(%dma_start3A_105 : memref<400xi32, #tpu.memory_space<hbm>>) target(%dma_start3A_103 : memref<400xi32, #tpu.memory_space<vmem>>) target_semaphore(%run_scoped3A_95 : memref<!tpu.dma_semaphore, #tpu.memory_space<semaphore_mem>>)
      %dma_wait3A_106 = arith.constant 0 : i32
      %dma_wait3A_107 = tpu.memref_slice %arg7[%run_scoped3A_6, %dma_wait3A_106] : memref<3x400xi32, #tpu.memory_space<vmem>> -> memref<1x400xi32, #tpu.memory_space<vmem>>
      %dma_wait3A_108 = tpu.memref_squeeze %dma_wait3A_107 : memref<1x400xi32, #tpu.memory_space<vmem>> -> memref<400xi32, #tpu.memory_space<vmem>>
      %dma_wait3A_109 = tpu.memref_slice %arg3[%run_scoped3A, %multiple_of3A] : memref<2x320000xi32, #tpu.memory_space<hbm>> -> memref<1x400xi32, #tpu.memory_space<hbm>>
      %dma_wait3A_110 = tpu.memref_squeeze %dma_wait3A_109 : memref<1x400xi32, #tpu.memory_space<hbm>> -> memref<400xi32, #tpu.memory_space<hbm>>
      %dma_wait3A_111 = arith.constant 0 : i32
      %dma_wait3A_112 = tpu.memref_slice %arg7[%run_scoped3A_6, %dma_wait3A_111] : memref<3x400xi32, #tpu.memory_space<vmem>> -> memref<1x400xi32, #tpu.memory_space<vmem>>
      %dma_wait3A_113 = tpu.memref_squeeze %dma_wait3A_112 : memref<1x400xi32, #tpu.memory_space<vmem>> -> memref<400xi32, #tpu.memory_space<vmem>>
      %dma_wait3A_114 = tpu.memref_slice %arg3[%run_scoped3A, %multiple_of3A] : memref<2x320000xi32, #tpu.memory_space<hbm>> -> memref<1x400xi32, #tpu.memory_space<hbm>>
      %dma_wait3A_115 = tpu.memref_squeeze %dma_wait3A_114 : memref<1x400xi32, #tpu.memory_space<hbm>> -> memref<400xi32, #tpu.memory_space<hbm>>
      tpu.wait_dma2 semaphore(%run_scoped3A_95 : memref<!tpu.dma_semaphore, #tpu.memory_space<semaphore_mem>>) src(%dma_wait3A_115 : memref<400xi32, #tpu.memory_space<hbm>>) dst(%dma_wait3A_113 : memref<400xi32, #tpu.memory_space<vmem>>)
      tpu.yield
    }) : () -> ()
    %run_scoped3A_7 = arith.constant 1 : i32
    %run_scoped3A_8 = arith.constant 0 : i32
    "tpu.region"() ({
      %run_scoped3A_95 = tpu.sem_alloc : memref<!tpu.dma_semaphore, #tpu.memory_space<semaphore_mem>>
      %dma_start3A_96 = arith.constant 0 : i32
      %dma_start3A_97 = tpu.memref_slice %arg8[%run_scoped3A_8, %dma_start3A_96] : memref<3x400xi32, #tpu.memory_space<vmem>> -> memref<1x400xi32, #tpu.memory_space<vmem>>
      %dma_start3A_98 = tpu.memref_squeeze %dma_start3A_97 : memref<1x400xi32, #tpu.memory_space<vmem>> -> memref<400xi32, #tpu.memory_space<vmem>>
      %dma_start3A_99 = tpu.memref_slice %arg3[%run_scoped3A_7, %multiple_of3A] : memref<2x320000xi32, #tpu.memory_space<hbm>> -> memref<1x400xi32, #tpu.memory_space<hbm>>
      %dma_start3A_100 = tpu.memref_squeeze %dma_start3A_99 : memref<1x400xi32, #tpu.memory_space<hbm>> -> memref<400xi32, #tpu.memory_space<hbm>>
      %dma_start3A_101 = arith.constant 0 : i32
      %dma_start3A_102 = tpu.memref_slice %arg8[%run_scoped3A_8, %dma_start3A_101] : memref<3x400xi32, #tpu.memory_space<vmem>> -> memref<1x400xi32, #tpu.memory_space<vmem>>
      %dma_start3A_103 = tpu.memref_squeeze %dma_start3A_102 : memref<1x400xi32, #tpu.memory_space<vmem>> -> memref<400xi32, #tpu.memory_space<vmem>>
      %dma_start3A_104 = tpu.memref_slice %arg3[%run_scoped3A_7, %multiple_of3A] : memref<2x320000xi32, #tpu.memory_space<hbm>> -> memref<1x400xi32, #tpu.memory_space<hbm>>
      %dma_start3A_105 = tpu.memref_squeeze %dma_start3A_104 : memref<1x400xi32, #tpu.memory_space<hbm>> -> memref<400xi32, #tpu.memory_space<hbm>>
      tpu.enqueue_dma source(%dma_start3A_105 : memref<400xi32, #tpu.memory_space<hbm>>) target(%dma_start3A_103 : memref<400xi32, #tpu.memory_space<vmem>>) target_semaphore(%run_scoped3A_95 : memref<!tpu.dma_semaphore, #tpu.memory_space<semaphore_mem>>)
      %dma_wait3A_106 = arith.constant 0 : i32
      %dma_wait3A_107 = tpu.memref_slice %arg8[%run_scoped3A_8, %dma_wait3A_106] : memref<3x400xi32, #tpu.memory_space<vmem>> -> memref<1x400xi32, #tpu.memory_space<vmem>>
      %dma_wait3A_108 = tpu.memref_squeeze %dma_wait3A_107 : memref<1x400xi32, #tpu.memory_space<vmem>> -> memref<400xi32, #tpu.memory_space<vmem>>
      %dma_wait3A_109 = tpu.memref_slice %arg3[%run_scoped3A_7, %multiple_of3A] : memref<2x320000xi32, #tpu.memory_space<hbm>> -> memref<1x400xi32, #tpu.memory_space<hbm>>
      %dma_wait3A_110 = tpu.memref_squeeze %dma_wait3A_109 : memref<1x400xi32, #tpu.memory_space<hbm>> -> memref<400xi32, #tpu.memory_space<hbm>>
      %dma_wait3A_111 = arith.constant 0 : i32
      %dma_wait3A_112 = tpu.memref_slice %arg8[%run_scoped3A_8, %dma_wait3A_111] : memref<3x400xi32, #tpu.memory_space<vmem>> -> memref<1x400xi32, #tpu.memory_space<vmem>>
      %dma_wait3A_113 = tpu.memref_squeeze %dma_wait3A_112 : memref<1x400xi32, #tpu.memory_space<vmem>> -> memref<400xi32, #tpu.memory_space<vmem>>
      %dma_wait3A_114 = tpu.memref_slice %arg3[%run_scoped3A_7, %multiple_of3A] : memref<2x320000xi32, #tpu.memory_space<hbm>> -> memref<1x400xi32, #tpu.memory_space<hbm>>
      %dma_wait3A_115 = tpu.memref_squeeze %dma_wait3A_114 : memref<1x400xi32, #tpu.memory_space<hbm>> -> memref<400xi32, #tpu.memory_space<hbm>>
      tpu.wait_dma2 semaphore(%run_scoped3A_95 : memref<!tpu.dma_semaphore, #tpu.memory_space<semaphore_mem>>) src(%dma_wait3A_115 : memref<400xi32, #tpu.memory_space<hbm>>) dst(%dma_wait3A_113 : memref<400xi32, #tpu.memory_space<vmem>>)
      tpu.yield
    }) : () -> ()
    %barrier3A = arith.constant 0 : index
    tpu.barrier barrier_id(%barrier3A)
    %dma_start3A = arith.constant 0 : i32
    %dma_start3A_9 = arith.constant 0 : i32
    %dma_start3A_10 = arith.constant 0 : i32
    %dma_start3A_11 = arith.constant 0 : i32
    %dma_start3A_12 = tpu.memref_slice %arg9[%dma_start3A_9, %dma_start3A_10, %dma_start3A_11] : memref<4x80x128xf32, #tpu.memory_space<vmem>> -> memref<1x80x128xf32, #tpu.memory_space<vmem>>
    %dma_start3A_13 = tpu.memref_squeeze %dma_start3A_12 : memref<1x80x128xf32, #tpu.memory_space<vmem>> -> memref<80x128xf32, #tpu.memory_space<vmem>>
    %dma_start3A_14 = arith.constant 0 : i32
    %dma_start3A_15 = tpu.memref_slice %arg7[%dma_start3A, %dma_start3A_14] : memref<3x400xi32, #tpu.memory_space<vmem>> -> memref<1x80xi32, #tpu.memory_space<vmem>>
    %dma_start3A_16 = tpu.memref_squeeze %dma_start3A_15 : memref<1x80xi32, #tpu.memory_space<vmem>> -> memref<80xi32, #tpu.memory_space<vmem>>
    %dma_start3A_17 = arith.constant 0 : i32
    %dma_start3A_18 = arith.constant 0 : i32
    %dma_start3A_19 = tpu.memref_slice %arg2[%dma_start3A_17, %dma_start3A_18] : memref<10000x128xf32, #tpu.memory_space<hbm>> -> memref<10000x128xf32, #tpu.memory_space<hbm>>
    tpu.enqueue_indirect_dma source(%dma_start3A_19 : memref<10000x128xf32, #tpu.memory_space<hbm>>) target(%dma_start3A_13 : memref<80x128xf32, #tpu.memory_space<vmem>>) offsets(%dma_start3A_16 : memref<80xi32, #tpu.memory_space<vmem>>) semaphore(%arg10 : memref<!tpu.dma_semaphore, #tpu.memory_space<semaphore_mem>>)
    %dma_start3A_20 = arith.constant 0 : i32
    %dma_start3A_21 = arith.constant 1 : i32
    %dma_start3A_22 = arith.constant 0 : i32
    %dma_start3A_23 = arith.constant 0 : i32
    %dma_start3A_24 = tpu.memref_slice %arg9[%dma_start3A_21, %dma_start3A_22, %dma_start3A_23] : memref<4x80x128xf32, #tpu.memory_space<vmem>> -> memref<1x80x128xf32, #tpu.memory_space<vmem>>
    %dma_start3A_25 = tpu.memref_squeeze %dma_start3A_24 : memref<1x80x128xf32, #tpu.memory_space<vmem>> -> memref<80x128xf32, #tpu.memory_space<vmem>>
    %dma_start3A_26 = arith.constant 80 : i32
    %dma_start3A_27 = tpu.memref_slice %arg7[%dma_start3A_20, %dma_start3A_26] : memref<3x400xi32, #tpu.memory_space<vmem>> -> memref<1x80xi32, #tpu.memory_space<vmem>>
    %dma_start3A_28 = tpu.memref_squeeze %dma_start3A_27 : memref<1x80xi32, #tpu.memory_space<vmem>> -> memref<80xi32, #tpu.memory_space<vmem>>
    %dma_start3A_29 = arith.constant 0 : i32
    %dma_start3A_30 = arith.constant 0 : i32
    %dma_start3A_31 = tpu.memref_slice %arg2[%dma_start3A_29, %dma_start3A_30] : memref<10000x128xf32, #tpu.memory_space<hbm>> -> memref<10000x128xf32, #tpu.memory_space<hbm>>
    tpu.enqueue_indirect_dma source(%dma_start3A_31 : memref<10000x128xf32, #tpu.memory_space<hbm>>) target(%dma_start3A_25 : memref<80x128xf32, #tpu.memory_space<vmem>>) offsets(%dma_start3A_28 : memref<80xi32, #tpu.memory_space<vmem>>) semaphore(%arg10 : memref<!tpu.dma_semaphore, #tpu.memory_space<semaphore_mem>>)
    %add3A_32 = arith.constant 400 : i32
    %add3A_33 = arith.addi %multiple_of3A, %add3A_32 : i32
    %dma_start3A_34 = arith.constant 0 : i32
    %dma_start3A_35 = arith.constant 1 : i32
    %dma_start3A_36 = arith.constant 0 : i32
    %dma_start3A_37 = tpu.memref_slice %arg7[%dma_start3A_35, %dma_start3A_36] : memref<3x400xi32, #tpu.memory_space<vmem>> -> memref<1x400xi32, #tpu.memory_space<vmem>>
    %dma_start3A_38 = tpu.memref_squeeze %dma_start3A_37 : memref<1x400xi32, #tpu.memory_space<vmem>> -> memref<400xi32, #tpu.memory_space<vmem>>
    %dma_start3A_39 = tpu.memref_slice %arg3[%dma_start3A_34, %add3A_33] : memref<2x320000xi32, #tpu.memory_space<hbm>> -> memref<1x400xi32, #tpu.memory_space<hbm>>
    %dma_start3A_40 = tpu.memref_squeeze %dma_start3A_39 : memref<1x400xi32, #tpu.memory_space<hbm>> -> memref<400xi32, #tpu.memory_space<hbm>>
    %dma_start3A_41 = arith.constant 0 : i32
    %dma_start3A_42 = tpu.memref_slice %arg7[%dma_start3A_35, %dma_start3A_41] : memref<3x400xi32, #tpu.memory_space<vmem>> -> memref<1x400xi32, #tpu.memory_space<vmem>>
    %dma_start3A_43 = tpu.memref_squeeze %dma_start3A_42 : memref<1x400xi32, #tpu.memory_space<vmem>> -> memref<400xi32, #tpu.memory_space<vmem>>
    %dma_start3A_44 = tpu.memref_slice %arg3[%dma_start3A_34, %add3A_33] : memref<2x320000xi32, #tpu.memory_space<hbm>> -> memref<1x400xi32, #tpu.memory_space<hbm>>
    %dma_start3A_45 = tpu.memref_squeeze %dma_start3A_44 : memref<1x400xi32, #tpu.memory_space<hbm>> -> memref<400xi32, #tpu.memory_space<hbm>>
    tpu.enqueue_dma source(%dma_start3A_45 : memref<400xi32, #tpu.memory_space<hbm>>) target(%dma_start3A_43 : memref<400xi32, #tpu.memory_space<vmem>>) target_semaphore(%arg12 : memref<!tpu.dma_semaphore, #tpu.memory_space<semaphore_mem>>)
    %add3A_46 = arith.constant 400 : i32
    %add3A_47 = arith.addi %multiple_of3A, %add3A_46 : i32
    %dma_start3A_48 = arith.constant 1 : i32
    %dma_start3A_49 = arith.constant 1 : i32
    %dma_start3A_50 = arith.constant 0 : i32
    %dma_start3A_51 = tpu.memref_slice %arg8[%dma_start3A_49, %dma_start3A_50] : memref<3x400xi32, #tpu.memory_space<vmem>> -> memref<1x400xi32, #tpu.memory_space<vmem>>
    %dma_start3A_52 = tpu.memref_squeeze %dma_start3A_51 : memref<1x400xi32, #tpu.memory_space<vmem>> -> memref<400xi32, #tpu.memory_space<vmem>>
    %dma_start3A_53 = tpu.memref_slice %arg3[%dma_start3A_48, %add3A_47] : memref<2x320000xi32, #tpu.memory_space<hbm>> -> memref<1x400xi32, #tpu.memory_space<hbm>>
    %dma_start3A_54 = tpu.memref_squeeze %dma_start3A_53 : memref<1x400xi32, #tpu.memory_space<hbm>> -> memref<400xi32, #tpu.memory_space<hbm>>
    %dma_start3A_55 = arith.constant 0 : i32
    %dma_start3A_56 = tpu.memref_slice %arg8[%dma_start3A_49, %dma_start3A_55] : memref<3x400xi32, #tpu.memory_space<vmem>> -> memref<1x400xi32, #tpu.memory_space<vmem>>
    %dma_start3A_57 = tpu.memref_squeeze %dma_start3A_56 : memref<1x400xi32, #tpu.memory_space<vmem>> -> memref<400xi32, #tpu.memory_space<vmem>>
    %dma_start3A_58 = tpu.memref_slice %arg3[%dma_start3A_48, %add3A_47] : memref<2x320000xi32, #tpu.memory_space<hbm>> -> memref<1x400xi32, #tpu.memory_space<hbm>>
    %dma_start3A_59 = tpu.memref_squeeze %dma_start3A_58 : memref<1x400xi32, #tpu.memory_space<hbm>> -> memref<400xi32, #tpu.memory_space<hbm>>
    tpu.enqueue_dma source(%dma_start3A_59 : memref<400xi32, #tpu.memory_space<hbm>>) target(%dma_start3A_57 : memref<400xi32, #tpu.memory_space<vmem>>) target_semaphore(%arg12 : memref<!tpu.dma_semaphore, #tpu.memory_space<semaphore_mem>>)
    %scan3A = arith.constant 0 : i32
    %scan3A_60 = arith.constant 0 : i32
    %scan3A_61 = arith.constant 25 : i32
    %scan3A_62 = arith.addi %scan3A_60, %scan3A_61 : i32
    %scan3A_63 = arith.constant 1 : i32
    scf.for %scan3A_95 = %scan3A_60 to %scan3A_62 step %scan3A_63  : i32 {
      %rem3A = arith.constant 3 : i32
      %rem3A_96 = arith.remsi %scan3A_95, %rem3A : i32
      %add3A_97 = arith.constant 1 : i32
      %add3A_98 = arith.addi %scan3A_95, %add3A_97 : i32
      %rem3A_99 = arith.constant 3 : i32
      %rem3A_100 = arith.remsi %add3A_98, %rem3A_99 : i32
      %mul3A_101 = arith.constant 5 : i32
      %mul3A_102 = arith.muli %scan3A_95, %mul3A_101 : i32
      %add3A_103 = arith.constant 0 : i32
      %add3A_104 = arith.addi %mul3A_102, %add3A_103 : i32
      %rem3A_105 = arith.constant 4 : i32
      %rem3A_106 = arith.remsi %add3A_104, %rem3A_105 : i32
      %dma_wait3A_107 = arith.constant 0 : i32
      %dma_wait3A_108 = arith.constant 0 : i32
      %dma_wait3A_109 = tpu.memref_slice %arg9[%rem3A_106, %dma_wait3A_107, %dma_wait3A_108] : memref<4x80x128xf32, #tpu.memory_space<vmem>> -> memref<1x80x128xf32, #tpu.memory_space<vmem>>
      %dma_wait3A_110 = tpu.memref_squeeze %dma_wait3A_109 : memref<1x80x128xf32, #tpu.memory_space<vmem>> -> memref<80x128xf32, #tpu.memory_space<vmem>>
      %dma_wait3A_111 = arith.constant 0 : i32
      %dma_wait3A_112 = tpu.memref_slice %arg7[%rem3A_96, %dma_wait3A_111] : memref<3x400xi32, #tpu.memory_space<vmem>> -> memref<1x80xi32, #tpu.memory_space<vmem>>
      %dma_wait3A_113 = tpu.memref_squeeze %dma_wait3A_112 : memref<1x80xi32, #tpu.memory_space<vmem>> -> memref<80xi32, #tpu.memory_space<vmem>>
      %dma_wait3A_114 = arith.constant 0 : i32
      %dma_wait3A_115 = arith.constant 0 : i32
      %dma_wait3A_116 = tpu.memref_slice %arg2[%dma_wait3A_114, %dma_wait3A_115] : memref<10000x128xf32, #tpu.memory_space<hbm>> -> memref<10000x128xf32, #tpu.memory_space<hbm>>
      tpu.wait_indirect_dma semaphore(%arg10 : memref<!tpu.dma_semaphore, #tpu.memory_space<semaphore_mem>>) src(%dma_wait3A_116 : memref<10000x128xf32, #tpu.memory_space<hbm>>) dst(%dma_wait3A_110 : memref<80x128xf32, #tpu.memory_space<vmem>>)
      %ge3A = arith.constant 2 : i32
      %ge3A_117 = arith.cmpi sge, %add3A_104, %ge3A : i32
      %convert_element_type3A = arith.extui %ge3A_117 : i1 to i32
      %cond3A = arith.constant 0 : i32
      %cond3A_118 = arith.cmpi ne, %convert_element_type3A, %cond3A : i32
      scf.if %cond3A_118 {
        %dma_wait3A_279 = arith.constant 0 : i32
        %dma_wait3A_280 = arith.constant 0 : i32
        %dma_wait3A_281 = arith.constant 0 : i32
        %dma_wait3A_282 = tpu.memref_slice %arg9[%dma_wait3A_279, %dma_wait3A_280, %dma_wait3A_281] : memref<4x80x128xf32, #tpu.memory_space<vmem>> -> memref<1x80x128xf32, #tpu.memory_space<vmem>>
        %dma_wait3A_283 = tpu.memref_squeeze %dma_wait3A_282 : memref<1x80x128xf32, #tpu.memory_space<vmem>> -> memref<80x128xf32, #tpu.memory_space<vmem>>
        %dma_wait3A_284 = arith.constant 0 : i32
        %dma_wait3A_285 = arith.constant 0 : i32
        %dma_wait3A_286 = tpu.memref_slice %arg6[%dma_wait3A_284, %dma_wait3A_285] : memref<10240x128xf32, #tpu.memory_space<vmem_shared>> -> memref<80x128xf32, #tpu.memory_space<vmem_shared>>
        %dma_wait3A_287 = arith.constant 0 : i32
        %dma_wait3A_288 = arith.constant 0 : i32
        %dma_wait3A_289 = tpu.memref_slice %arg6[%dma_wait3A_287, %dma_wait3A_288] : memref<10240x128xf32, #tpu.memory_space<vmem_shared>> -> memref<80x128xf32, #tpu.memory_space<vmem_shared>>
        %dma_wait3A_290 = arith.constant 0 : i32
        %dma_wait3A_291 = arith.constant 0 : i32
        %dma_wait3A_292 = tpu.memref_slice %arg9[%dma_wait3A_279, %dma_wait3A_290, %dma_wait3A_291] : memref<4x80x128xf32, #tpu.memory_space<vmem>> -> memref<1x80x128xf32, #tpu.memory_space<vmem>>
        %dma_wait3A_293 = tpu.memref_squeeze %dma_wait3A_292 : memref<1x80x128xf32, #tpu.memory_space<vmem>> -> memref<80x128xf32, #tpu.memory_space<vmem>>
        tpu.wait_dma2 semaphore(%arg11 : memref<!tpu.dma_semaphore, #tpu.memory_space<semaphore_mem>>) src(%dma_wait3A_293 : memref<80x128xf32, #tpu.memory_space<vmem>>) dst(%dma_wait3A_289 : memref<80x128xf32, #tpu.memory_space<vmem_shared>>)
      } else {
      }
      %lt3A = arith.constant 123 : i32
      %lt3A_119 = arith.cmpi slt, %add3A_104, %lt3A : i32
      %convert_element_type3A_120 = arith.extui %lt3A_119 : i1 to i32
      %cond3A_121 = arith.constant 0 : i32
      %cond3A_122 = arith.cmpi ne, %convert_element_type3A_120, %cond3A_121 : i32
      scf.if %cond3A_122 {
        %add3A_279 = arith.constant 2 : i32
        %add3A_280 = arith.addi %add3A_104, %add3A_279 : i32
        %rem3A_281 = arith.constant 4 : i32
        %rem3A_282 = arith.remsi %add3A_280, %rem3A_281 : i32
        %dma_start3A_283 = arith.constant 0 : i32
        %dma_start3A_284 = arith.constant 0 : i32
        %dma_start3A_285 = tpu.memref_slice %arg9[%rem3A_282, %dma_start3A_283, %dma_start3A_284] : memref<4x80x128xf32, #tpu.memory_space<vmem>> -> memref<1x80x128xf32, #tpu.memory_space<vmem>>
        %dma_start3A_286 = tpu.memref_squeeze %dma_start3A_285 : memref<1x80x128xf32, #tpu.memory_space<vmem>> -> memref<80x128xf32, #tpu.memory_space<vmem>>
        %dma_start3A_287 = arith.constant 160 : i32
        %dma_start3A_288 = tpu.memref_slice %arg7[%rem3A_96, %dma_start3A_287] : memref<3x400xi32, #tpu.memory_space<vmem>> -> memref<1x80xi32, #tpu.memory_space<vmem>>
        %dma_start3A_289 = tpu.memref_squeeze %dma_start3A_288 : memref<1x80xi32, #tpu.memory_space<vmem>> -> memref<80xi32, #tpu.memory_space<vmem>>
        %dma_start3A_290 = arith.constant 0 : i32
        %dma_start3A_291 = arith.constant 0 : i32
        %dma_start3A_292 = tpu.memref_slice %arg2[%dma_start3A_290, %dma_start3A_291] : memref<10000x128xf32, #tpu.memory_space<hbm>> -> memref<10000x128xf32, #tpu.memory_space<hbm>>
        tpu.enqueue_indirect_dma source(%dma_start3A_292 : memref<10000x128xf32, #tpu.memory_space<hbm>>) target(%dma_start3A_286 : memref<80x128xf32, #tpu.memory_space<vmem>>) offsets(%dma_start3A_289 : memref<80xi32, #tpu.memory_space<vmem>>) semaphore(%arg10 : memref<!tpu.dma_semaphore, #tpu.memory_space<semaphore_mem>>)
      } else {
      }
      %dma_start3A_123 = arith.constant 0 : i32
      %dma_start3A_124 = arith.constant 0 : i32
      %dma_start3A_125 = tpu.memref_slice %arg9[%rem3A_106, %dma_start3A_123, %dma_start3A_124] : memref<4x80x128xf32, #tpu.memory_space<vmem>> -> memref<1x80x128xf32, #tpu.memory_space<vmem>>
      %dma_start3A_126 = tpu.memref_squeeze %dma_start3A_125 : memref<1x80x128xf32, #tpu.memory_space<vmem>> -> memref<80x128xf32, #tpu.memory_space<vmem>>
      %dma_start3A_127 = arith.constant 0 : i32
      %dma_start3A_128 = tpu.memref_slice %arg8[%rem3A_96, %dma_start3A_127] : memref<3x400xi32, #tpu.memory_space<vmem>> -> memref<1x80xi32, #tpu.memory_space<vmem>>
      %dma_start3A_129 = tpu.memref_squeeze %dma_start3A_128 : memref<1x80xi32, #tpu.memory_space<vmem>> -> memref<80xi32, #tpu.memory_space<vmem>>
      %dma_start3A_130 = arith.constant 0 : i32
      %dma_start3A_131 = arith.constant 0 : i32
      %dma_start3A_132 = tpu.memref_slice %arg6[%dma_start3A_130, %dma_start3A_131] : memref<10240x128xf32, #tpu.memory_space<vmem_shared>> -> memref<10240x128xf32, #tpu.memory_space<vmem_shared>>
      tpu.enqueue_indirect_dma source(%dma_start3A_126 : memref<80x128xf32, #tpu.memory_space<vmem>>) target(%dma_start3A_132 : memref<10240x128xf32, #tpu.memory_space<vmem_shared>>) offsets(%dma_start3A_129 : memref<80xi32, #tpu.memory_space<vmem>>) semaphore(%arg11 : memref<!tpu.dma_semaphore, #tpu.memory_space<semaphore_mem>>) {add = true}
      %add3A_133 = arith.constant 1 : i32
      %add3A_134 = arith.addi %mul3A_102, %add3A_133 : i32
      %rem3A_135 = arith.constant 4 : i32
      %rem3A_136 = arith.remsi %add3A_134, %rem3A_135 : i32
      %dma_wait3A_137 = arith.constant 0 : i32
      %dma_wait3A_138 = arith.constant 0 : i32
      %dma_wait3A_139 = tpu.memref_slice %arg9[%rem3A_136, %dma_wait3A_137, %dma_wait3A_138] : memref<4x80x128xf32, #tpu.memory_space<vmem>> -> memref<1x80x128xf32, #tpu.memory_space<vmem>>
      %dma_wait3A_140 = tpu.memref_squeeze %dma_wait3A_139 : memref<1x80x128xf32, #tpu.memory_space<vmem>> -> memref<80x128xf32, #tpu.memory_space<vmem>>
      %dma_wait3A_141 = arith.constant 80 : i32
      %dma_wait3A_142 = tpu.memref_slice %arg7[%rem3A_96, %dma_wait3A_141] : memref<3x400xi32, #tpu.memory_space<vmem>> -> memref<1x80xi32, #tpu.memory_space<vmem>>
      %dma_wait3A_143 = tpu.memref_squeeze %dma_wait3A_142 : memref<1x80xi32, #tpu.memory_space<vmem>> -> memref<80xi32, #tpu.memory_space<vmem>>
      %dma_wait3A_144 = arith.constant 0 : i32
      %dma_wait3A_145 = arith.constant 0 : i32
      %dma_wait3A_146 = tpu.memref_slice %arg2[%dma_wait3A_144, %dma_wait3A_145] : memref<10000x128xf32, #tpu.memory_space<hbm>> -> memref<10000x128xf32, #tpu.memory_space<hbm>>
      tpu.wait_indirect_dma semaphore(%arg10 : memref<!tpu.dma_semaphore, #tpu.memory_space<semaphore_mem>>) src(%dma_wait3A_146 : memref<10000x128xf32, #tpu.memory_space<hbm>>) dst(%dma_wait3A_140 : memref<80x128xf32, #tpu.memory_space<vmem>>)
      %ge3A_147 = arith.constant 2 : i32
      %ge3A_148 = arith.cmpi sge, %add3A_134, %ge3A_147 : i32
      %convert_element_type3A_149 = arith.extui %ge3A_148 : i1 to i32
      %cond3A_150 = arith.constant 0 : i32
      %cond3A_151 = arith.cmpi ne, %convert_element_type3A_149, %cond3A_150 : i32
      scf.if %cond3A_151 {
        %dma_wait3A_279 = arith.constant 0 : i32
        %dma_wait3A_280 = arith.constant 0 : i32
        %dma_wait3A_281 = arith.constant 0 : i32
        %dma_wait3A_282 = tpu.memref_slice %arg9[%dma_wait3A_279, %dma_wait3A_280, %dma_wait3A_281] : memref<4x80x128xf32, #tpu.memory_space<vmem>> -> memref<1x80x128xf32, #tpu.memory_space<vmem>>
        %dma_wait3A_283 = tpu.memref_squeeze %dma_wait3A_282 : memref<1x80x128xf32, #tpu.memory_space<vmem>> -> memref<80x128xf32, #tpu.memory_space<vmem>>
        %dma_wait3A_284 = arith.constant 0 : i32
        %dma_wait3A_285 = arith.constant 0 : i32
        %dma_wait3A_286 = tpu.memref_slice %arg6[%dma_wait3A_284, %dma_wait3A_285] : memref<10240x128xf32, #tpu.memory_space<vmem_shared>> -> memref<80x128xf32, #tpu.memory_space<vmem_shared>>
        %dma_wait3A_287 = arith.constant 0 : i32
        %dma_wait3A_288 = arith.constant 0 : i32
        %dma_wait3A_289 = tpu.memref_slice %arg6[%dma_wait3A_287, %dma_wait3A_288] : memref<10240x128xf32, #tpu.memory_space<vmem_shared>> -> memref<80x128xf32, #tpu.memory_space<vmem_shared>>
        %dma_wait3A_290 = arith.constant 0 : i32
        %dma_wait3A_291 = arith.constant 0 : i32
        %dma_wait3A_292 = tpu.memref_slice %arg9[%dma_wait3A_279, %dma_wait3A_290, %dma_wait3A_291] : memref<4x80x128xf32, #tpu.memory_space<vmem>> -> memref<1x80x128xf32, #tpu.memory_space<vmem>>
        %dma_wait3A_293 = tpu.memref_squeeze %dma_wait3A_292 : memref<1x80x128xf32, #tpu.memory_space<vmem>> -> memref<80x128xf32, #tpu.memory_space<vmem>>
        tpu.wait_dma2 semaphore(%arg11 : memref<!tpu.dma_semaphore, #tpu.memory_space<semaphore_mem>>) src(%dma_wait3A_293 : memref<80x128xf32, #tpu.memory_space<vmem>>) dst(%dma_wait3A_289 : memref<80x128xf32, #tpu.memory_space<vmem_shared>>)
      } else {
      }
      %lt3A_152 = arith.constant 123 : i32
      %lt3A_153 = arith.cmpi slt, %add3A_134, %lt3A_152 : i32
      %convert_element_type3A_154 = arith.extui %lt3A_153 : i1 to i32
      %cond3A_155 = arith.constant 0 : i32
      %cond3A_156 = arith.cmpi ne, %convert_element_type3A_154, %cond3A_155 : i32
      scf.if %cond3A_156 {
        %add3A_279 = arith.constant 2 : i32
        %add3A_280 = arith.addi %add3A_134, %add3A_279 : i32
        %rem3A_281 = arith.constant 4 : i32
        %rem3A_282 = arith.remsi %add3A_280, %rem3A_281 : i32
        %dma_start3A_283 = arith.constant 0 : i32
        %dma_start3A_284 = arith.constant 0 : i32
        %dma_start3A_285 = tpu.memref_slice %arg9[%rem3A_282, %dma_start3A_283, %dma_start3A_284] : memref<4x80x128xf32, #tpu.memory_space<vmem>> -> memref<1x80x128xf32, #tpu.memory_space<vmem>>
        %dma_start3A_286 = tpu.memref_squeeze %dma_start3A_285 : memref<1x80x128xf32, #tpu.memory_space<vmem>> -> memref<80x128xf32, #tpu.memory_space<vmem>>
        %dma_start3A_287 = arith.constant 240 : i32
        %dma_start3A_288 = tpu.memref_slice %arg7[%rem3A_96, %dma_start3A_287] : memref<3x400xi32, #tpu.memory_space<vmem>> -> memref<1x80xi32, #tpu.memory_space<vmem>>
        %dma_start3A_289 = tpu.memref_squeeze %dma_start3A_288 : memref<1x80xi32, #tpu.memory_space<vmem>> -> memref<80xi32, #tpu.memory_space<vmem>>
        %dma_start3A_290 = arith.constant 0 : i32
        %dma_start3A_291 = arith.constant 0 : i32
        %dma_start3A_292 = tpu.memref_slice %arg2[%dma_start3A_290, %dma_start3A_291] : memref<10000x128xf32, #tpu.memory_space<hbm>> -> memref<10000x128xf32, #tpu.memory_space<hbm>>
        tpu.enqueue_indirect_dma source(%dma_start3A_292 : memref<10000x128xf32, #tpu.memory_space<hbm>>) target(%dma_start3A_286 : memref<80x128xf32, #tpu.memory_space<vmem>>) offsets(%dma_start3A_289 : memref<80xi32, #tpu.memory_space<vmem>>) semaphore(%arg10 : memref<!tpu.dma_semaphore, #tpu.memory_space<semaphore_mem>>)
      } else {
      }
      %dma_start3A_157 = arith.constant 0 : i32
      %dma_start3A_158 = arith.constant 0 : i32
      %dma_start3A_159 = tpu.memref_slice %arg9[%rem3A_136, %dma_start3A_157, %dma_start3A_158] : memref<4x80x128xf32, #tpu.memory_space<vmem>> -> memref<1x80x128xf32, #tpu.memory_space<vmem>>
      %dma_start3A_160 = tpu.memref_squeeze %dma_start3A_159 : memref<1x80x128xf32, #tpu.memory_space<vmem>> -> memref<80x128xf32, #tpu.memory_space<vmem>>
      %dma_start3A_161 = arith.constant 80 : i32
      %dma_start3A_162 = tpu.memref_slice %arg8[%rem3A_96, %dma_start3A_161] : memref<3x400xi32, #tpu.memory_space<vmem>> -> memref<1x80xi32, #tpu.memory_space<vmem>>
      %dma_start3A_163 = tpu.memref_squeeze %dma_start3A_162 : memref<1x80xi32, #tpu.memory_space<vmem>> -> memref<80xi32, #tpu.memory_space<vmem>>
      %dma_start3A_164 = arith.constant 0 : i32
      %dma_start3A_165 = arith.constant 0 : i32
      %dma_start3A_166 = tpu.memref_slice %arg6[%dma_start3A_164, %dma_start3A_165] : memref<10240x128xf32, #tpu.memory_space<vmem_shared>> -> memref<10240x128xf32, #tpu.memory_space<vmem_shared>>
      tpu.enqueue_indirect_dma source(%dma_start3A_160 : memref<80x128xf32, #tpu.memory_space<vmem>>) target(%dma_start3A_166 : memref<10240x128xf32, #tpu.memory_space<vmem_shared>>) offsets(%dma_start3A_163 : memref<80xi32, #tpu.memory_space<vmem>>) semaphore(%arg11 : memref<!tpu.dma_semaphore, #tpu.memory_space<semaphore_mem>>) {add = true}
      %add3A_167 = arith.constant 2 : i32
      %add3A_168 = arith.addi %mul3A_102, %add3A_167 : i32
      %rem3A_169 = arith.constant 4 : i32
      %rem3A_170 = arith.remsi %add3A_168, %rem3A_169 : i32
      %dma_wait3A_171 = arith.constant 0 : i32
      %dma_wait3A_172 = arith.constant 0 : i32
      %dma_wait3A_173 = tpu.memref_slice %arg9[%rem3A_170, %dma_wait3A_171, %dma_wait3A_172] : memref<4x80x128xf32, #tpu.memory_space<vmem>> -> memref<1x80x128xf32, #tpu.memory_space<vmem>>
      %dma_wait3A_174 = tpu.memref_squeeze %dma_wait3A_173 : memref<1x80x128xf32, #tpu.memory_space<vmem>> -> memref<80x128xf32, #tpu.memory_space<vmem>>
      %dma_wait3A_175 = arith.constant 160 : i32
      %dma_wait3A_176 = tpu.memref_slice %arg7[%rem3A_96, %dma_wait3A_175] : memref<3x400xi32, #tpu.memory_space<vmem>> -> memref<1x80xi32, #tpu.memory_space<vmem>>
      %dma_wait3A_177 = tpu.memref_squeeze %dma_wait3A_176 : memref<1x80xi32, #tpu.memory_space<vmem>> -> memref<80xi32, #tpu.memory_space<vmem>>
      %dma_wait3A_178 = arith.constant 0 : i32
      %dma_wait3A_179 = arith.constant 0 : i32
      %dma_wait3A_180 = tpu.memref_slice %arg2[%dma_wait3A_178, %dma_wait3A_179] : memref<10000x128xf32, #tpu.memory_space<hbm>> -> memref<10000x128xf32, #tpu.memory_space<hbm>>
      tpu.wait_indirect_dma semaphore(%arg10 : memref<!tpu.dma_semaphore, #tpu.memory_space<semaphore_mem>>) src(%dma_wait3A_180 : memref<10000x128xf32, #tpu.memory_space<hbm>>) dst(%dma_wait3A_174 : memref<80x128xf32, #tpu.memory_space<vmem>>)
      %ge3A_181 = arith.constant 2 : i32
      %ge3A_182 = arith.cmpi sge, %add3A_168, %ge3A_181 : i32
      %convert_element_type3A_183 = arith.extui %ge3A_182 : i1 to i32
      %cond3A_184 = arith.constant 0 : i32
      %cond3A_185 = arith.cmpi ne, %convert_element_type3A_183, %cond3A_184 : i32
      scf.if %cond3A_185 {
        %dma_wait3A_279 = arith.constant 0 : i32
        %dma_wait3A_280 = arith.constant 0 : i32
        %dma_wait3A_281 = arith.constant 0 : i32
        %dma_wait3A_282 = tpu.memref_slice %arg9[%dma_wait3A_279, %dma_wait3A_280, %dma_wait3A_281] : memref<4x80x128xf32, #tpu.memory_space<vmem>> -> memref<1x80x128xf32, #tpu.memory_space<vmem>>
        %dma_wait3A_283 = tpu.memref_squeeze %dma_wait3A_282 : memref<1x80x128xf32, #tpu.memory_space<vmem>> -> memref<80x128xf32, #tpu.memory_space<vmem>>
        %dma_wait3A_284 = arith.constant 0 : i32
        %dma_wait3A_285 = arith.constant 0 : i32
        %dma_wait3A_286 = tpu.memref_slice %arg6[%dma_wait3A_284, %dma_wait3A_285] : memref<10240x128xf32, #tpu.memory_space<vmem_shared>> -> memref<80x128xf32, #tpu.memory_space<vmem_shared>>
        %dma_wait3A_287 = arith.constant 0 : i32
        %dma_wait3A_288 = arith.constant 0 : i32
        %dma_wait3A_289 = tpu.memref_slice %arg6[%dma_wait3A_287, %dma_wait3A_288] : memref<10240x128xf32, #tpu.memory_space<vmem_shared>> -> memref<80x128xf32, #tpu.memory_space<vmem_shared>>
        %dma_wait3A_290 = arith.constant 0 : i32
        %dma_wait3A_291 = arith.constant 0 : i32
        %dma_wait3A_292 = tpu.memref_slice %arg9[%dma_wait3A_279, %dma_wait3A_290, %dma_wait3A_291] : memref<4x80x128xf32, #tpu.memory_space<vmem>> -> memref<1x80x128xf32, #tpu.memory_space<vmem>>
        %dma_wait3A_293 = tpu.memref_squeeze %dma_wait3A_292 : memref<1x80x128xf32, #tpu.memory_space<vmem>> -> memref<80x128xf32, #tpu.memory_space<vmem>>
        tpu.wait_dma2 semaphore(%arg11 : memref<!tpu.dma_semaphore, #tpu.memory_space<semaphore_mem>>) src(%dma_wait3A_293 : memref<80x128xf32, #tpu.memory_space<vmem>>) dst(%dma_wait3A_289 : memref<80x128xf32, #tpu.memory_space<vmem_shared>>)
      } else {
      }
      %lt3A_186 = arith.constant 123 : i32
      %lt3A_187 = arith.cmpi slt, %add3A_168, %lt3A_186 : i32
      %convert_element_type3A_188 = arith.extui %lt3A_187 : i1 to i32
      %cond3A_189 = arith.constant 0 : i32
      %cond3A_190 = arith.cmpi ne, %convert_element_type3A_188, %cond3A_189 : i32
      scf.if %cond3A_190 {
        %add3A_279 = arith.constant 2 : i32
        %add3A_280 = arith.addi %add3A_168, %add3A_279 : i32
        %rem3A_281 = arith.constant 4 : i32
        %rem3A_282 = arith.remsi %add3A_280, %rem3A_281 : i32
        %dma_start3A_283 = arith.constant 0 : i32
        %dma_start3A_284 = arith.constant 0 : i32
        %dma_start3A_285 = tpu.memref_slice %arg9[%rem3A_282, %dma_start3A_283, %dma_start3A_284] : memref<4x80x128xf32, #tpu.memory_space<vmem>> -> memref<1x80x128xf32, #tpu.memory_space<vmem>>
        %dma_start3A_286 = tpu.memref_squeeze %dma_start3A_285 : memref<1x80x128xf32, #tpu.memory_space<vmem>> -> memref<80x128xf32, #tpu.memory_space<vmem>>
        %dma_start3A_287 = arith.constant 320 : i32
        %dma_start3A_288 = tpu.memref_slice %arg7[%rem3A_96, %dma_start3A_287] : memref<3x400xi32, #tpu.memory_space<vmem>> -> memref<1x80xi32, #tpu.memory_space<vmem>>
        %dma_start3A_289 = tpu.memref_squeeze %dma_start3A_288 : memref<1x80xi32, #tpu.memory_space<vmem>> -> memref<80xi32, #tpu.memory_space<vmem>>
        %dma_start3A_290 = arith.constant 0 : i32
        %dma_start3A_291 = arith.constant 0 : i32
        %dma_start3A_292 = tpu.memref_slice %arg2[%dma_start3A_290, %dma_start3A_291] : memref<10000x128xf32, #tpu.memory_space<hbm>> -> memref<10000x128xf32, #tpu.memory_space<hbm>>
        tpu.enqueue_indirect_dma source(%dma_start3A_292 : memref<10000x128xf32, #tpu.memory_space<hbm>>) target(%dma_start3A_286 : memref<80x128xf32, #tpu.memory_space<vmem>>) offsets(%dma_start3A_289 : memref<80xi32, #tpu.memory_space<vmem>>) semaphore(%arg10 : memref<!tpu.dma_semaphore, #tpu.memory_space<semaphore_mem>>)
      } else {
      }
      %dma_start3A_191 = arith.constant 0 : i32
      %dma_start3A_192 = arith.constant 0 : i32
      %dma_start3A_193 = tpu.memref_slice %arg9[%rem3A_170, %dma_start3A_191, %dma_start3A_192] : memref<4x80x128xf32, #tpu.memory_space<vmem>> -> memref<1x80x128xf32, #tpu.memory_space<vmem>>
      %dma_start3A_194 = tpu.memref_squeeze %dma_start3A_193 : memref<1x80x128xf32, #tpu.memory_space<vmem>> -> memref<80x128xf32, #tpu.memory_space<vmem>>
      %dma_start3A_195 = arith.constant 160 : i32
      %dma_start3A_196 = tpu.memref_slice %arg8[%rem3A_96, %dma_start3A_195] : memref<3x400xi32, #tpu.memory_space<vmem>> -> memref<1x80xi32, #tpu.memory_space<vmem>>
      %dma_start3A_197 = tpu.memref_squeeze %dma_start3A_196 : memref<1x80xi32, #tpu.memory_space<vmem>> -> memref<80xi32, #tpu.memory_space<vmem>>
      %dma_start3A_198 = arith.constant 0 : i32
      %dma_start3A_199 = arith.constant 0 : i32
      %dma_start3A_200 = tpu.memref_slice %arg6[%dma_start3A_198, %dma_start3A_199] : memref<10240x128xf32, #tpu.memory_space<vmem_shared>> -> memref<10240x128xf32, #tpu.memory_space<vmem_shared>>
      tpu.enqueue_indirect_dma source(%dma_start3A_194 : memref<80x128xf32, #tpu.memory_space<vmem>>) target(%dma_start3A_200 : memref<10240x128xf32, #tpu.memory_space<vmem_shared>>) offsets(%dma_start3A_197 : memref<80xi32, #tpu.memory_space<vmem>>) semaphore(%arg11 : memref<!tpu.dma_semaphore, #tpu.memory_space<semaphore_mem>>) {add = true}
      %add3A_201 = arith.constant 3 : i32
      %add3A_202 = arith.addi %mul3A_102, %add3A_201 : i32
      %rem3A_203 = arith.constant 4 : i32
      %rem3A_204 = arith.remsi %add3A_202, %rem3A_203 : i32
      %dma_wait3A_205 = arith.constant 0 : i32
      %dma_wait3A_206 = arith.constant 0 : i32
      %dma_wait3A_207 = tpu.memref_slice %arg9[%rem3A_204, %dma_wait3A_205, %dma_wait3A_206] : memref<4x80x128xf32, #tpu.memory_space<vmem>> -> memref<1x80x128xf32, #tpu.memory_space<vmem>>
      %dma_wait3A_208 = tpu.memref_squeeze %dma_wait3A_207 : memref<1x80x128xf32, #tpu.memory_space<vmem>> -> memref<80x128xf32, #tpu.memory_space<vmem>>
      %dma_wait3A_209 = arith.constant 240 : i32
      %dma_wait3A_210 = tpu.memref_slice %arg7[%rem3A_96, %dma_wait3A_209] : memref<3x400xi32, #tpu.memory_space<vmem>> -> memref<1x80xi32, #tpu.memory_space<vmem>>
      %dma_wait3A_211 = tpu.memref_squeeze %dma_wait3A_210 : memref<1x80xi32, #tpu.memory_space<vmem>> -> memref<80xi32, #tpu.memory_space<vmem>>
      %dma_wait3A_212 = arith.constant 0 : i32
      %dma_wait3A_213 = arith.constant 0 : i32
      %dma_wait3A_214 = tpu.memref_slice %arg2[%dma_wait3A_212, %dma_wait3A_213] : memref<10000x128xf32, #tpu.memory_space<hbm>> -> memref<10000x128xf32, #tpu.memory_space<hbm>>
      tpu.wait_indirect_dma semaphore(%arg10 : memref<!tpu.dma_semaphore, #tpu.memory_space<semaphore_mem>>) src(%dma_wait3A_214 : memref<10000x128xf32, #tpu.memory_space<hbm>>) dst(%dma_wait3A_208 : memref<80x128xf32, #tpu.memory_space<vmem>>)
      %ge3A_215 = arith.constant 2 : i32
      %ge3A_216 = arith.cmpi sge, %add3A_202, %ge3A_215 : i32
      %convert_element_type3A_217 = arith.extui %ge3A_216 : i1 to i32
      %cond3A_218 = arith.constant 0 : i32
      %cond3A_219 = arith.cmpi ne, %convert_element_type3A_217, %cond3A_218 : i32
      scf.if %cond3A_219 {
        %dma_wait3A_279 = arith.constant 0 : i32
        %dma_wait3A_280 = arith.constant 0 : i32
        %dma_wait3A_281 = arith.constant 0 : i32
        %dma_wait3A_282 = tpu.memref_slice %arg9[%dma_wait3A_279, %dma_wait3A_280, %dma_wait3A_281] : memref<4x80x128xf32, #tpu.memory_space<vmem>> -> memref<1x80x128xf32, #tpu.memory_space<vmem>>
        %dma_wait3A_283 = tpu.memref_squeeze %dma_wait3A_282 : memref<1x80x128xf32, #tpu.memory_space<vmem>> -> memref<80x128xf32, #tpu.memory_space<vmem>>
        %dma_wait3A_284 = arith.constant 0 : i32
        %dma_wait3A_285 = arith.constant 0 : i32
        %dma_wait3A_286 = tpu.memref_slice %arg6[%dma_wait3A_284, %dma_wait3A_285] : memref<10240x128xf32, #tpu.memory_space<vmem_shared>> -> memref<80x128xf32, #tpu.memory_space<vmem_shared>>
        %dma_wait3A_287 = arith.constant 0 : i32
        %dma_wait3A_288 = arith.constant 0 : i32
        %dma_wait3A_289 = tpu.memref_slice %arg6[%dma_wait3A_287, %dma_wait3A_288] : memref<10240x128xf32, #tpu.memory_space<vmem_shared>> -> memref<80x128xf32, #tpu.memory_space<vmem_shared>>
        %dma_wait3A_290 = arith.constant 0 : i32
        %dma_wait3A_291 = arith.constant 0 : i32
        %dma_wait3A_292 = tpu.memref_slice %arg9[%dma_wait3A_279, %dma_wait3A_290, %dma_wait3A_291] : memref<4x80x128xf32, #tpu.memory_space<vmem>> -> memref<1x80x128xf32, #tpu.memory_space<vmem>>
        %dma_wait3A_293 = tpu.memref_squeeze %dma_wait3A_292 : memref<1x80x128xf32, #tpu.memory_space<vmem>> -> memref<80x128xf32, #tpu.memory_space<vmem>>
        tpu.wait_dma2 semaphore(%arg11 : memref<!tpu.dma_semaphore, #tpu.memory_space<semaphore_mem>>) src(%dma_wait3A_293 : memref<80x128xf32, #tpu.memory_space<vmem>>) dst(%dma_wait3A_289 : memref<80x128xf32, #tpu.memory_space<vmem_shared>>)
      } else {
      }
      %lt3A_220 = arith.constant 24 : i32
      %lt3A_221 = arith.cmpi slt, %scan3A_95, %lt3A_220 : i32
      %convert_element_type3A_222 = arith.extui %lt3A_221 : i1 to i32
      %cond3A_223 = arith.constant 0 : i32
      %cond3A_224 = arith.cmpi ne, %convert_element_type3A_222, %cond3A_223 : i32
      scf.if %cond3A_224 {
        %dma_wait3A_279 = arith.constant 0 : i32
        %dma_wait3A_280 = arith.constant 0 : i32
        %dma_wait3A_281 = tpu.memref_slice %arg7[%rem3A_100, %dma_wait3A_280] : memref<3x400xi32, #tpu.memory_space<vmem>> -> memref<1x400xi32, #tpu.memory_space<vmem>>
        %dma_wait3A_282 = tpu.memref_squeeze %dma_wait3A_281 : memref<1x400xi32, #tpu.memory_space<vmem>> -> memref<400xi32, #tpu.memory_space<vmem>>
        %dma_wait3A_283 = tpu.memref_slice %arg3[%dma_wait3A_279, %multiple_of3A] : memref<2x320000xi32, #tpu.memory_space<hbm>> -> memref<1x400xi32, #tpu.memory_space<hbm>>
        %dma_wait3A_284 = tpu.memref_squeeze %dma_wait3A_283 : memref<1x400xi32, #tpu.memory_space<hbm>> -> memref<400xi32, #tpu.memory_space<hbm>>
        %dma_wait3A_285 = arith.constant 0 : i32
        %dma_wait3A_286 = tpu.memref_slice %arg7[%rem3A_100, %dma_wait3A_285] : memref<3x400xi32, #tpu.memory_space<vmem>> -> memref<1x400xi32, #tpu.memory_space<vmem>>
        %dma_wait3A_287 = tpu.memref_squeeze %dma_wait3A_286 : memref<1x400xi32, #tpu.memory_space<vmem>> -> memref<400xi32, #tpu.memory_space<vmem>>
        %dma_wait3A_288 = tpu.memref_slice %arg3[%dma_wait3A_279, %multiple_of3A] : memref<2x320000xi32, #tpu.memory_space<hbm>> -> memref<1x400xi32, #tpu.memory_space<hbm>>
        %dma_wait3A_289 = tpu.memref_squeeze %dma_wait3A_288 : memref<1x400xi32, #tpu.memory_space<hbm>> -> memref<400xi32, #tpu.memory_space<hbm>>
        tpu.wait_dma2 semaphore(%arg12 : memref<!tpu.dma_semaphore, #tpu.memory_space<semaphore_mem>>) src(%dma_wait3A_289 : memref<400xi32, #tpu.memory_space<hbm>>) dst(%dma_wait3A_287 : memref<400xi32, #tpu.memory_space<vmem>>)
        %dma_wait3A_290 = arith.constant 1 : i32
        %dma_wait3A_291 = arith.constant 0 : i32
        %dma_wait3A_292 = tpu.memref_slice %arg8[%rem3A_100, %dma_wait3A_291] : memref<3x400xi32, #tpu.memory_space<vmem>> -> memref<1x400xi32, #tpu.memory_space<vmem>>
        %dma_wait3A_293 = tpu.memref_squeeze %dma_wait3A_292 : memref<1x400xi32, #tpu.memory_space<vmem>> -> memref<400xi32, #tpu.memory_space<vmem>>
        %dma_wait3A_294 = tpu.memref_slice %arg3[%dma_wait3A_290, %multiple_of3A] : memref<2x320000xi32, #tpu.memory_space<hbm>> -> memref<1x400xi32, #tpu.memory_space<hbm>>
        %dma_wait3A_295 = tpu.memref_squeeze %dma_wait3A_294 : memref<1x400xi32, #tpu.memory_space<hbm>> -> memref<400xi32, #tpu.memory_space<hbm>>
        %dma_wait3A_296 = arith.constant 0 : i32
        %dma_wait3A_297 = tpu.memref_slice %arg8[%rem3A_100, %dma_wait3A_296] : memref<3x400xi32, #tpu.memory_space<vmem>> -> memref<1x400xi32, #tpu.memory_space<vmem>>
        %dma_wait3A_298 = tpu.memref_squeeze %dma_wait3A_297 : memref<1x400xi32, #tpu.memory_space<vmem>> -> memref<400xi32, #tpu.memory_space<vmem>>
        %dma_wait3A_299 = tpu.memref_slice %arg3[%dma_wait3A_290, %multiple_of3A] : memref<2x320000xi32, #tpu.memory_space<hbm>> -> memref<1x400xi32, #tpu.memory_space<hbm>>
        %dma_wait3A_300 = tpu.memref_squeeze %dma_wait3A_299 : memref<1x400xi32, #tpu.memory_space<hbm>> -> memref<400xi32, #tpu.memory_space<hbm>>
        tpu.wait_dma2 semaphore(%arg12 : memref<!tpu.dma_semaphore, #tpu.memory_space<semaphore_mem>>) src(%dma_wait3A_300 : memref<400xi32, #tpu.memory_space<hbm>>) dst(%dma_wait3A_298 : memref<400xi32, #tpu.memory_space<vmem>>)
      } else {
      }
      %lt3A_225 = arith.constant 23 : i32
      %lt3A_226 = arith.cmpi slt, %scan3A_95, %lt3A_225 : i32
      %convert_element_type3A_227 = arith.extui %lt3A_226 : i1 to i32
      %cond3A_228 = arith.constant 0 : i32
      %cond3A_229 = arith.cmpi ne, %convert_element_type3A_227, %cond3A_228 : i32
      scf.if %cond3A_229 {
        %add3A_279 = arith.constant 2 : i32
        %add3A_280 = arith.addi %scan3A_95, %add3A_279 : i32
        %mul3A_281 = arith.constant 400 : i32
        %mul3A_282 = arith.muli %add3A_280, %mul3A_281 : i32
        %add3A_283 = arith.addi %multiple_of3A, %mul3A_282 : i32
        %add3A_284 = arith.constant 2 : i32
        %add3A_285 = arith.addi %scan3A_95, %add3A_284 : i32
        %rem3A_286 = arith.constant 3 : i32
        %rem3A_287 = arith.remsi %add3A_285, %rem3A_286 : i32
        %dma_start3A_288 = arith.constant 0 : i32
        %dma_start3A_289 = arith.constant 0 : i32
        %dma_start3A_290 = tpu.memref_slice %arg7[%rem3A_287, %dma_start3A_289] : memref<3x400xi32, #tpu.memory_space<vmem>> -> memref<1x400xi32, #tpu.memory_space<vmem>>
        %dma_start3A_291 = tpu.memref_squeeze %dma_start3A_290 : memref<1x400xi32, #tpu.memory_space<vmem>> -> memref<400xi32, #tpu.memory_space<vmem>>
        %dma_start3A_292 = tpu.memref_slice %arg3[%dma_start3A_288, %add3A_283] : memref<2x320000xi32, #tpu.memory_space<hbm>> -> memref<1x400xi32, #tpu.memory_space<hbm>>
        %dma_start3A_293 = tpu.memref_squeeze %dma_start3A_292 : memref<1x400xi32, #tpu.memory_space<hbm>> -> memref<400xi32, #tpu.memory_space<hbm>>
        %dma_start3A_294 = arith.constant 0 : i32
        %dma_start3A_295 = tpu.memref_slice %arg7[%rem3A_287, %dma_start3A_294] : memref<3x400xi32, #tpu.memory_space<vmem>> -> memref<1x400xi32, #tpu.memory_space<vmem>>
        %dma_start3A_296 = tpu.memref_squeeze %dma_start3A_295 : memref<1x400xi32, #tpu.memory_space<vmem>> -> memref<400xi32, #tpu.memory_space<vmem>>
        %dma_start3A_297 = tpu.memref_slice %arg3[%dma_start3A_288, %add3A_283] : memref<2x320000xi32, #tpu.memory_space<hbm>> -> memref<1x400xi32, #tpu.memory_space<hbm>>
        %dma_start3A_298 = tpu.memref_squeeze %dma_start3A_297 : memref<1x400xi32, #tpu.memory_space<hbm>> -> memref<400xi32, #tpu.memory_space<hbm>>
        tpu.enqueue_dma source(%dma_start3A_298 : memref<400xi32, #tpu.memory_space<hbm>>) target(%dma_start3A_296 : memref<400xi32, #tpu.memory_space<vmem>>) target_semaphore(%arg12 : memref<!tpu.dma_semaphore, #tpu.memory_space<semaphore_mem>>)
        %add3A_299 = arith.constant 2 : i32
        %add3A_300 = arith.addi %scan3A_95, %add3A_299 : i32
        %rem3A_301 = arith.constant 3 : i32
        %rem3A_302 = arith.remsi %add3A_300, %rem3A_301 : i32
        %dma_start3A_303 = arith.constant 1 : i32
        %dma_start3A_304 = arith.constant 0 : i32
        %dma_start3A_305 = tpu.memref_slice %arg8[%rem3A_302, %dma_start3A_304] : memref<3x400xi32, #tpu.memory_space<vmem>> -> memref<1x400xi32, #tpu.memory_space<vmem>>
        %dma_start3A_306 = tpu.memref_squeeze %dma_start3A_305 : memref<1x400xi32, #tpu.memory_space<vmem>> -> memref<400xi32, #tpu.memory_space<vmem>>
        %dma_start3A_307 = tpu.memref_slice %arg3[%dma_start3A_303, %add3A_283] : memref<2x320000xi32, #tpu.memory_space<hbm>> -> memref<1x400xi32, #tpu.memory_space<hbm>>
        %dma_start3A_308 = tpu.memref_squeeze %dma_start3A_307 : memref<1x400xi32, #tpu.memory_space<hbm>> -> memref<400xi32, #tpu.memory_space<hbm>>
        %dma_start3A_309 = arith.constant 0 : i32
        %dma_start3A_310 = tpu.memref_slice %arg8[%rem3A_302, %dma_start3A_309] : memref<3x400xi32, #tpu.memory_space<vmem>> -> memref<1x400xi32, #tpu.memory_space<vmem>>
        %dma_start3A_311 = tpu.memref_squeeze %dma_start3A_310 : memref<1x400xi32, #tpu.memory_space<vmem>> -> memref<400xi32, #tpu.memory_space<vmem>>
        %dma_start3A_312 = tpu.memref_slice %arg3[%dma_start3A_303, %add3A_283] : memref<2x320000xi32, #tpu.memory_space<hbm>> -> memref<1x400xi32, #tpu.memory_space<hbm>>
        %dma_start3A_313 = tpu.memref_squeeze %dma_start3A_312 : memref<1x400xi32, #tpu.memory_space<hbm>> -> memref<400xi32, #tpu.memory_space<hbm>>
        tpu.enqueue_dma source(%dma_start3A_313 : memref<400xi32, #tpu.memory_space<hbm>>) target(%dma_start3A_311 : memref<400xi32, #tpu.memory_space<vmem>>) target_semaphore(%arg12 : memref<!tpu.dma_semaphore, #tpu.memory_space<semaphore_mem>>)
      } else {
      }
      %lt3A_230 = arith.constant 123 : i32
      %lt3A_231 = arith.cmpi slt, %add3A_202, %lt3A_230 : i32
      %convert_element_type3A_232 = arith.extui %lt3A_231 : i1 to i32
      %cond3A_233 = arith.constant 0 : i32
      %cond3A_234 = arith.cmpi ne, %convert_element_type3A_232, %cond3A_233 : i32
      scf.if %cond3A_234 {
        %add3A_279 = arith.constant 2 : i32
        %add3A_280 = arith.addi %add3A_202, %add3A_279 : i32
        %rem3A_281 = arith.constant 4 : i32
        %rem3A_282 = arith.remsi %add3A_280, %rem3A_281 : i32
        %dma_start3A_283 = arith.constant 0 : i32
        %dma_start3A_284 = arith.constant 0 : i32
        %dma_start3A_285 = tpu.memref_slice %arg9[%rem3A_282, %dma_start3A_283, %dma_start3A_284] : memref<4x80x128xf32, #tpu.memory_space<vmem>> -> memref<1x80x128xf32, #tpu.memory_space<vmem>>
        %dma_start3A_286 = tpu.memref_squeeze %dma_start3A_285 : memref<1x80x128xf32, #tpu.memory_space<vmem>> -> memref<80x128xf32, #tpu.memory_space<vmem>>
        %dma_start3A_287 = arith.constant 0 : i32
        %dma_start3A_288 = tpu.memref_slice %arg7[%rem3A_100, %dma_start3A_287] : memref<3x400xi32, #tpu.memory_space<vmem>> -> memref<1x80xi32, #tpu.memory_space<vmem>>
        %dma_start3A_289 = tpu.memref_squeeze %dma_start3A_288 : memref<1x80xi32, #tpu.memory_space<vmem>> -> memref<80xi32, #tpu.memory_space<vmem>>
        %dma_start3A_290 = arith.constant 0 : i32
        %dma_start3A_291 = arith.constant 0 : i32
        %dma_start3A_292 = tpu.memref_slice %arg2[%dma_start3A_290, %dma_start3A_291] : memref<10000x128xf32, #tpu.memory_space<hbm>> -> memref<10000x128xf32, #tpu.memory_space<hbm>>
        tpu.enqueue_indirect_dma source(%dma_start3A_292 : memref<10000x128xf32, #tpu.memory_space<hbm>>) target(%dma_start3A_286 : memref<80x128xf32, #tpu.memory_space<vmem>>) offsets(%dma_start3A_289 : memref<80xi32, #tpu.memory_space<vmem>>) semaphore(%arg10 : memref<!tpu.dma_semaphore, #tpu.memory_space<semaphore_mem>>)
      } else {
      }
      %dma_start3A_235 = arith.constant 0 : i32
      %dma_start3A_236 = arith.constant 0 : i32
      %dma_start3A_237 = tpu.memref_slice %arg9[%rem3A_204, %dma_start3A_235, %dma_start3A_236] : memref<4x80x128xf32, #tpu.memory_space<vmem>> -> memref<1x80x128xf32, #tpu.memory_space<vmem>>
      %dma_start3A_238 = tpu.memref_squeeze %dma_start3A_237 : memref<1x80x128xf32, #tpu.memory_space<vmem>> -> memref<80x128xf32, #tpu.memory_space<vmem>>
      %dma_start3A_239 = arith.constant 240 : i32
      %dma_start3A_240 = tpu.memref_slice %arg8[%rem3A_96, %dma_start3A_239] : memref<3x400xi32, #tpu.memory_space<vmem>> -> memref<1x80xi32, #tpu.memory_space<vmem>>
      %dma_start3A_241 = tpu.memref_squeeze %dma_start3A_240 : memref<1x80xi32, #tpu.memory_space<vmem>> -> memref<80xi32, #tpu.memory_space<vmem>>
      %dma_start3A_242 = arith.constant 0 : i32
      %dma_start3A_243 = arith.constant 0 : i32
      %dma_start3A_244 = tpu.memref_slice %arg6[%dma_start3A_242, %dma_start3A_243] : memref<10240x128xf32, #tpu.memory_space<vmem_shared>> -> memref<10240x128xf32, #tpu.memory_space<vmem_shared>>
      tpu.enqueue_indirect_dma source(%dma_start3A_238 : memref<80x128xf32, #tpu.memory_space<vmem>>) target(%dma_start3A_244 : memref<10240x128xf32, #tpu.memory_space<vmem_shared>>) offsets(%dma_start3A_241 : memref<80xi32, #tpu.memory_space<vmem>>) semaphore(%arg11 : memref<!tpu.dma_semaphore, #tpu.memory_space<semaphore_mem>>) {add = true}
      %add3A_245 = arith.constant 4 : i32
      %add3A_246 = arith.addi %mul3A_102, %add3A_245 : i32
      %rem3A_247 = arith.constant 4 : i32
      %rem3A_248 = arith.remsi %add3A_246, %rem3A_247 : i32
      %dma_wait3A_249 = arith.constant 0 : i32
      %dma_wait3A_250 = arith.constant 0 : i32
      %dma_wait3A_251 = tpu.memref_slice %arg9[%rem3A_248, %dma_wait3A_249, %dma_wait3A_250] : memref<4x80x128xf32, #tpu.memory_space<vmem>> -> memref<1x80x128xf32, #tpu.memory_space<vmem>>
      %dma_wait3A_252 = tpu.memref_squeeze %dma_wait3A_251 : memref<1x80x128xf32, #tpu.memory_space<vmem>> -> memref<80x128xf32, #tpu.memory_space<vmem>>
      %dma_wait3A_253 = arith.constant 320 : i32
      %dma_wait3A_254 = tpu.memref_slice %arg7[%rem3A_96, %dma_wait3A_253] : memref<3x400xi32, #tpu.memory_space<vmem>> -> memref<1x80xi32, #tpu.memory_space<vmem>>
      %dma_wait3A_255 = tpu.memref_squeeze %dma_wait3A_254 : memref<1x80xi32, #tpu.memory_space<vmem>> -> memref<80xi32, #tpu.memory_space<vmem>>
      %dma_wait3A_256 = arith.constant 0 : i32
      %dma_wait3A_257 = arith.constant 0 : i32
      %dma_wait3A_258 = tpu.memref_slice %arg2[%dma_wait3A_256, %dma_wait3A_257] : memref<10000x128xf32, #tpu.memory_space<hbm>> -> memref<10000x128xf32, #tpu.memory_space<hbm>>
      tpu.wait_indirect_dma semaphore(%arg10 : memref<!tpu.dma_semaphore, #tpu.memory_space<semaphore_mem>>) src(%dma_wait3A_258 : memref<10000x128xf32, #tpu.memory_space<hbm>>) dst(%dma_wait3A_252 : memref<80x128xf32, #tpu.memory_space<vmem>>)
      %ge3A_259 = arith.constant 2 : i32
      %ge3A_260 = arith.cmpi sge, %add3A_246, %ge3A_259 : i32
      %convert_element_type3A_261 = arith.extui %ge3A_260 : i1 to i32
      %cond3A_262 = arith.constant 0 : i32
      %cond3A_263 = arith.cmpi ne, %convert_element_type3A_261, %cond3A_262 : i32
      scf.if %cond3A_263 {
        %dma_wait3A_279 = arith.constant 0 : i32
        %dma_wait3A_280 = arith.constant 0 : i32
        %dma_wait3A_281 = arith.constant 0 : i32
        %dma_wait3A_282 = tpu.memref_slice %arg9[%dma_wait3A_279, %dma_wait3A_280, %dma_wait3A_281] : memref<4x80x128xf32, #tpu.memory_space<vmem>> -> memref<1x80x128xf32, #tpu.memory_space<vmem>>
        %dma_wait3A_283 = tpu.memref_squeeze %dma_wait3A_282 : memref<1x80x128xf32, #tpu.memory_space<vmem>> -> memref<80x128xf32, #tpu.memory_space<vmem>>
        %dma_wait3A_284 = arith.constant 0 : i32
        %dma_wait3A_285 = arith.constant 0 : i32
        %dma_wait3A_286 = tpu.memref_slice %arg6[%dma_wait3A_284, %dma_wait3A_285] : memref<10240x128xf32, #tpu.memory_space<vmem_shared>> -> memref<80x128xf32, #tpu.memory_space<vmem_shared>>
        %dma_wait3A_287 = arith.constant 0 : i32
        %dma_wait3A_288 = arith.constant 0 : i32
        %dma_wait3A_289 = tpu.memref_slice %arg6[%dma_wait3A_287, %dma_wait3A_288] : memref<10240x128xf32, #tpu.memory_space<vmem_shared>> -> memref<80x128xf32, #tpu.memory_space<vmem_shared>>
        %dma_wait3A_290 = arith.constant 0 : i32
        %dma_wait3A_291 = arith.constant 0 : i32
        %dma_wait3A_292 = tpu.memref_slice %arg9[%dma_wait3A_279, %dma_wait3A_290, %dma_wait3A_291] : memref<4x80x128xf32, #tpu.memory_space<vmem>> -> memref<1x80x128xf32, #tpu.memory_space<vmem>>
        %dma_wait3A_293 = tpu.memref_squeeze %dma_wait3A_292 : memref<1x80x128xf32, #tpu.memory_space<vmem>> -> memref<80x128xf32, #tpu.memory_space<vmem>>
        tpu.wait_dma2 semaphore(%arg11 : memref<!tpu.dma_semaphore, #tpu.memory_space<semaphore_mem>>) src(%dma_wait3A_293 : memref<80x128xf32, #tpu.memory_space<vmem>>) dst(%dma_wait3A_289 : memref<80x128xf32, #tpu.memory_space<vmem_shared>>)
      } else {
      }
      %lt3A_264 = arith.constant 123 : i32
      %lt3A_265 = arith.cmpi slt, %add3A_246, %lt3A_264 : i32
      %convert_element_type3A_266 = arith.extui %lt3A_265 : i1 to i32
      %cond3A_267 = arith.constant 0 : i32
      %cond3A_268 = arith.cmpi ne, %convert_element_type3A_266, %cond3A_267 : i32
      scf.if %cond3A_268 {
        %add3A_279 = arith.constant 2 : i32
        %add3A_280 = arith.addi %add3A_246, %add3A_279 : i32
        %rem3A_281 = arith.constant 4 : i32
        %rem3A_282 = arith.remsi %add3A_280, %rem3A_281 : i32
        %dma_start3A_283 = arith.constant 0 : i32
        %dma_start3A_284 = arith.constant 0 : i32
        %dma_start3A_285 = tpu.memref_slice %arg9[%rem3A_282, %dma_start3A_283, %dma_start3A_284] : memref<4x80x128xf32, #tpu.memory_space<vmem>> -> memref<1x80x128xf32, #tpu.memory_space<vmem>>
        %dma_start3A_286 = tpu.memref_squeeze %dma_start3A_285 : memref<1x80x128xf32, #tpu.memory_space<vmem>> -> memref<80x128xf32, #tpu.memory_space<vmem>>
        %dma_start3A_287 = arith.constant 80 : i32
        %dma_start3A_288 = tpu.memref_slice %arg7[%rem3A_100, %dma_start3A_287] : memref<3x400xi32, #tpu.memory_space<vmem>> -> memref<1x80xi32, #tpu.memory_space<vmem>>
        %dma_start3A_289 = tpu.memref_squeeze %dma_start3A_288 : memref<1x80xi32, #tpu.memory_space<vmem>> -> memref<80xi32, #tpu.memory_space<vmem>>
        %dma_start3A_290 = arith.constant 0 : i32
        %dma_start3A_291 = arith.constant 0 : i32
        %dma_start3A_292 = tpu.memref_slice %arg2[%dma_start3A_290, %dma_start3A_291] : memref<10000x128xf32, #tpu.memory_space<hbm>> -> memref<10000x128xf32, #tpu.memory_space<hbm>>
        tpu.enqueue_indirect_dma source(%dma_start3A_292 : memref<10000x128xf32, #tpu.memory_space<hbm>>) target(%dma_start3A_286 : memref<80x128xf32, #tpu.memory_space<vmem>>) offsets(%dma_start3A_289 : memref<80xi32, #tpu.memory_space<vmem>>) semaphore(%arg10 : memref<!tpu.dma_semaphore, #tpu.memory_space<semaphore_mem>>)
      } else {
      }
      %dma_start3A_269 = arith.constant 0 : i32
      %dma_start3A_270 = arith.constant 0 : i32
      %dma_start3A_271 = tpu.memref_slice %arg9[%rem3A_248, %dma_start3A_269, %dma_start3A_270] : memref<4x80x128xf32, #tpu.memory_space<vmem>> -> memref<1x80x128xf32, #tpu.memory_space<vmem>>
      %dma_start3A_272 = tpu.memref_squeeze %dma_start3A_271 : memref<1x80x128xf32, #tpu.memory_space<vmem>> -> memref<80x128xf32, #tpu.memory_space<vmem>>
      %dma_start3A_273 = arith.constant 320 : i32
      %dma_start3A_274 = tpu.memref_slice %arg8[%rem3A_96, %dma_start3A_273] : memref<3x400xi32, #tpu.memory_space<vmem>> -> memref<1x80xi32, #tpu.memory_space<vmem>>
      %dma_start3A_275 = tpu.memref_squeeze %dma_start3A_274 : memref<1x80xi32, #tpu.memory_space<vmem>> -> memref<80xi32, #tpu.memory_space<vmem>>
      %dma_start3A_276 = arith.constant 0 : i32
      %dma_start3A_277 = arith.constant 0 : i32
      %dma_start3A_278 = tpu.memref_slice %arg6[%dma_start3A_276, %dma_start3A_277] : memref<10240x128xf32, #tpu.memory_space<vmem_shared>> -> memref<10240x128xf32, #tpu.memory_space<vmem_shared>>
      tpu.enqueue_indirect_dma source(%dma_start3A_272 : memref<80x128xf32, #tpu.memory_space<vmem>>) target(%dma_start3A_278 : memref<10240x128xf32, #tpu.memory_space<vmem_shared>>) offsets(%dma_start3A_275 : memref<80xi32, #tpu.memory_space<vmem>>) semaphore(%arg11 : memref<!tpu.dma_semaphore, #tpu.memory_space<semaphore_mem>>) {add = true}
    }
    %scan3A_64 = arith.constant 25 : i32
    %dma_wait3A = arith.constant 0 : i32
    %dma_wait3A_65 = arith.constant 0 : i32
    %dma_wait3A_66 = arith.constant 0 : i32
    %dma_wait3A_67 = tpu.memref_slice %arg9[%dma_wait3A, %dma_wait3A_65, %dma_wait3A_66] : memref<4x80x128xf32, #tpu.memory_space<vmem>> -> memref<1x80x128xf32, #tpu.memory_space<vmem>>
    %dma_wait3A_68 = tpu.memref_squeeze %dma_wait3A_67 : memref<1x80x128xf32, #tpu.memory_space<vmem>> -> memref<80x128xf32, #tpu.memory_space<vmem>>
    %dma_wait3A_69 = arith.constant 0 : i32
    %dma_wait3A_70 = arith.constant 0 : i32
    %dma_wait3A_71 = tpu.memref_slice %arg6[%dma_wait3A_69, %dma_wait3A_70] : memref<10240x128xf32, #tpu.memory_space<vmem_shared>> -> memref<80x128xf32, #tpu.memory_space<vmem_shared>>
    %dma_wait3A_72 = arith.constant 0 : i32
    %dma_wait3A_73 = arith.constant 0 : i32
    %dma_wait3A_74 = tpu.memref_slice %arg6[%dma_wait3A_72, %dma_wait3A_73] : memref<10240x128xf32, #tpu.memory_space<vmem_shared>> -> memref<80x128xf32, #tpu.memory_space<vmem_shared>>
    %dma_wait3A_75 = arith.constant 0 : i32
    %dma_wait3A_76 = arith.constant 0 : i32
    %dma_wait3A_77 = tpu.memref_slice %arg9[%dma_wait3A, %dma_wait3A_75, %dma_wait3A_76] : memref<4x80x128xf32, #tpu.memory_space<vmem>> -> memref<1x80x128xf32, #tpu.memory_space<vmem>>
    %dma_wait3A_78 = tpu.memref_squeeze %dma_wait3A_77 : memref<1x80x128xf32, #tpu.memory_space<vmem>> -> memref<80x128xf32, #tpu.memory_space<vmem>>
    tpu.wait_dma2 semaphore(%arg11 : memref<!tpu.dma_semaphore, #tpu.memory_space<semaphore_mem>>) src(%dma_wait3A_78 : memref<80x128xf32, #tpu.memory_space<vmem>>) dst(%dma_wait3A_74 : memref<80x128xf32, #tpu.memory_space<vmem_shared>>)
    %dma_wait3A_79 = arith.constant 0 : i32
    %dma_wait3A_80 = arith.constant 0 : i32
    %dma_wait3A_81 = arith.constant 0 : i32
    %dma_wait3A_82 = tpu.memref_slice %arg9[%dma_wait3A_79, %dma_wait3A_80, %dma_wait3A_81] : memref<4x80x128xf32, #tpu.memory_space<vmem>> -> memref<1x80x128xf32, #tpu.memory_space<vmem>>
    %dma_wait3A_83 = tpu.memref_squeeze %dma_wait3A_82 : memref<1x80x128xf32, #tpu.memory_space<vmem>> -> memref<80x128xf32, #tpu.memory_space<vmem>>
    %dma_wait3A_84 = arith.constant 0 : i32
    %dma_wait3A_85 = arith.constant 0 : i32
    %dma_wait3A_86 = tpu.memref_slice %arg6[%dma_wait3A_84, %dma_wait3A_85] : memref<10240x128xf32, #tpu.memory_space<vmem_shared>> -> memref<80x128xf32, #tpu.memory_space<vmem_shared>>
    %dma_wait3A_87 = arith.constant 0 : i32
    %dma_wait3A_88 = arith.constant 0 : i32
    %dma_wait3A_89 = tpu.memref_slice %arg6[%dma_wait3A_87, %dma_wait3A_88] : memref<10240x128xf32, #tpu.memory_space<vmem_shared>> -> memref<80x128xf32, #tpu.memory_space<vmem_shared>>
    %dma_wait3A_90 = arith.constant 0 : i32
    %dma_wait3A_91 = arith.constant 0 : i32
    %dma_wait3A_92 = tpu.memref_slice %arg9[%dma_wait3A_79, %dma_wait3A_90, %dma_wait3A_91] : memref<4x80x128xf32, #tpu.memory_space<vmem>> -> memref<1x80x128xf32, #tpu.memory_space<vmem>>
    %dma_wait3A_93 = tpu.memref_squeeze %dma_wait3A_92 : memref<1x80x128xf32, #tpu.memory_space<vmem>> -> memref<80x128xf32, #tpu.memory_space<vmem>>
    tpu.wait_dma2 semaphore(%arg11 : memref<!tpu.dma_semaphore, #tpu.memory_space<semaphore_mem>>) src(%dma_wait3A_93 : memref<80x128xf32, #tpu.memory_space<vmem>>) dst(%dma_wait3A_89 : memref<80x128xf32, #tpu.memory_space<vmem_shared>>)
    %barrier3A_94 = arith.constant 0 : index
    tpu.barrier barrier_id(%barrier3A_94)
    "tpu.region"() ({
      %run_scoped3A_95 = tpu.sem_alloc : memref<!tpu.dma_semaphore, #tpu.memory_space<semaphore_mem>>
      %dma_start3A_96 = arith.constant 0 : i32
      %dma_start3A_97 = tpu.memref_slice %arg5[%arg0, %multiple_of3A_5, %dma_start3A_96] : memref<2x10240x128xf32, #tpu.memory_space<hbm>> -> memref<1x640x128xf32, #tpu.memory_space<hbm>>
      %dma_start3A_98 = tpu.memref_squeeze %dma_start3A_97 : memref<1x640x128xf32, #tpu.memory_space<hbm>> -> memref<640x128xf32, #tpu.memory_space<hbm>>
      %dma_start3A_99 = arith.constant 0 : i32
      %dma_start3A_100 = tpu.memref_slice %arg6[%multiple_of3A_5, %dma_start3A_99] : memref<10240x128xf32, #tpu.memory_space<vmem_shared>> -> memref<640x128xf32, #tpu.memory_space<vmem_shared>>
      tpu.enqueue_dma source(%dma_start3A_100 : memref<640x128xf32, #tpu.memory_space<vmem_shared>>) target(%dma_start3A_98 : memref<640x128xf32, #tpu.memory_space<hbm>>) target_semaphore(%run_scoped3A_95 : memref<!tpu.dma_semaphore, #tpu.memory_space<semaphore_mem>>)
      %dma_wait3A_101 = arith.constant 0 : i32
      %dma_wait3A_102 = tpu.memref_slice %arg5[%arg0, %multiple_of3A_5, %dma_wait3A_101] : memref<2x10240x128xf32, #tpu.memory_space<hbm>> -> memref<1x640x128xf32, #tpu.memory_space<hbm>>
      %dma_wait3A_103 = tpu.memref_squeeze %dma_wait3A_102 : memref<1x640x128xf32, #tpu.memory_space<hbm>> -> memref<640x128xf32, #tpu.memory_space<hbm>>
      %dma_wait3A_104 = arith.constant 0 : i32
      %dma_wait3A_105 = tpu.memref_slice %arg6[%multiple_of3A_5, %dma_wait3A_104] : memref<10240x128xf32, #tpu.memory_space<vmem_shared>> -> memref<640x128xf32, #tpu.memory_space<vmem_shared>>
      tpu.wait_dma2 semaphore(%run_scoped3A_95 : memref<!tpu.dma_semaphore, #tpu.memory_space<semaphore_mem>>) src(%dma_wait3A_105 : memref<640x128xf32, #tpu.memory_space<vmem_shared>>) dst(%dma_wait3A_103 : memref<640x128xf32, #tpu.memory_space<hbm>>)
      tpu.yield
    }) : () -> ()
    return
  }
}

#map = affine_map<(d0, d1) -> (0, 0)>
#map1 = affine_map<(d0, d1) -> (0, 0, 0)>
module attributes {stable_mosaic.version = 14 : i64} {
  func.func @agg(%arg0: i32, %arg1: i32, %arg2: memref<10240x40xf32, #tpu.memory_space<hbm>>, %arg3: memref<2x320000xi32, #tpu.memory_space<hbm>>, %arg4: memref<640x40xf32, #tpu.memory_space<hbm>>, %arg5: memref<2x10240x40xf32, #tpu.memory_space<hbm>>, %arg6: memref<10240x40xf32, #tpu.memory_space<vmem_shared>>, %arg7: memref<10000xi32, #tpu.memory_space<vmem>>, %arg8: memref<10000xi32, #tpu.memory_space<vmem>>, %arg9: memref<8x80x40xf32, #tpu.memory_space<vmem>>, %arg10: memref<!tpu.dma_semaphore, #tpu.memory_space<semaphore_mem>>, %arg11: memref<!tpu.dma_semaphore, #tpu.memory_space<semaphore_mem>>, %arg12: memref<!tpu.dma_semaphore, #tpu.memory_space<semaphore_mem>>) attributes {dimension_semantics = [#tpu.dimension_semantics<core_parallel>, #tpu.dimension_semantics<subcore_parallel>], iteration_bounds = array<i64: 2, 16>, scalar_prefetch = 0 : i64, scratch_operands = 7 : i64, tpu.core_type = #tpu.core_type<sc_vector_subcore>, window_params = [{transform_indices = #map}, {transform_indices = #map}, {transform_indices = #map}, {transform_indices = #map1}]} {
    %mul3A = arith.constant 16 : i32
    %mul3A_0 = arith.muli %arg0, %mul3A : i32
    %add3A = arith.addi %mul3A_0, %arg1 : i32
    %mul3A_1 = arith.constant 10000 : i32
    %mul3A_2 = arith.muli %add3A, %mul3A_1 : i32
    %multiple_of3A = tpu.assume_multiple %mul3A_2, 8 : i32
    %mul3A_3 = arith.constant 640 : i32
    %mul3A_4 = arith.muli %arg1, %mul3A_3 : i32
    %multiple_of3A_5 = tpu.assume_multiple %mul3A_4, 8 : i32
    "tpu.region"() ({
      %run_scoped3A_106 = tpu.sem_alloc : memref<!tpu.dma_semaphore, #tpu.memory_space<semaphore_mem>>
      %dma_start3A_107 = arith.constant 0 : i32
      %dma_start3A_108 = tpu.memref_slice %arg6[%multiple_of3A_5, %dma_start3A_107] : memref<10240x40xf32, #tpu.memory_space<vmem_shared>> -> memref<640x40xf32, #tpu.memory_space<vmem_shared>>
      tpu.enqueue_dma source(%arg4 : memref<640x40xf32, #tpu.memory_space<hbm>>) target(%dma_start3A_108 : memref<640x40xf32, #tpu.memory_space<vmem_shared>>) target_semaphore(%run_scoped3A_106 : memref<!tpu.dma_semaphore, #tpu.memory_space<semaphore_mem>>)
      %dma_wait3A_109 = arith.constant 0 : i32
      %dma_wait3A_110 = tpu.memref_slice %arg6[%multiple_of3A_5, %dma_wait3A_109] : memref<10240x40xf32, #tpu.memory_space<vmem_shared>> -> memref<640x40xf32, #tpu.memory_space<vmem_shared>>
      tpu.wait_dma2 semaphore(%run_scoped3A_106 : memref<!tpu.dma_semaphore, #tpu.memory_space<semaphore_mem>>) src(%arg4 : memref<640x40xf32, #tpu.memory_space<hbm>>) dst(%dma_wait3A_110 : memref<640x40xf32, #tpu.memory_space<vmem_shared>>)
      tpu.yield
    }) : () -> ()
    %run_scoped3A = arith.constant 0 : i32
    "tpu.region"() ({
      %run_scoped3A_106 = tpu.sem_alloc : memref<!tpu.dma_semaphore, #tpu.memory_space<semaphore_mem>>
      %dma_start3A_107 = tpu.memref_slice %arg3[%run_scoped3A, %multiple_of3A] : memref<2x320000xi32, #tpu.memory_space<hbm>> -> memref<1x10000xi32, #tpu.memory_space<hbm>>
      %dma_start3A_108 = tpu.memref_squeeze %dma_start3A_107 : memref<1x10000xi32, #tpu.memory_space<hbm>> -> memref<10000xi32, #tpu.memory_space<hbm>>
      %dma_start3A_109 = tpu.memref_slice %arg3[%run_scoped3A, %multiple_of3A] : memref<2x320000xi32, #tpu.memory_space<hbm>> -> memref<1x10000xi32, #tpu.memory_space<hbm>>
      %dma_start3A_110 = tpu.memref_squeeze %dma_start3A_109 : memref<1x10000xi32, #tpu.memory_space<hbm>> -> memref<10000xi32, #tpu.memory_space<hbm>>
      tpu.enqueue_dma source(%dma_start3A_110 : memref<10000xi32, #tpu.memory_space<hbm>>) target(%arg7 : memref<10000xi32, #tpu.memory_space<vmem>>) target_semaphore(%run_scoped3A_106 : memref<!tpu.dma_semaphore, #tpu.memory_space<semaphore_mem>>)
      %dma_wait3A_111 = tpu.memref_slice %arg3[%run_scoped3A, %multiple_of3A] : memref<2x320000xi32, #tpu.memory_space<hbm>> -> memref<1x10000xi32, #tpu.memory_space<hbm>>
      %dma_wait3A_112 = tpu.memref_squeeze %dma_wait3A_111 : memref<1x10000xi32, #tpu.memory_space<hbm>> -> memref<10000xi32, #tpu.memory_space<hbm>>
      %dma_wait3A_113 = tpu.memref_slice %arg3[%run_scoped3A, %multiple_of3A] : memref<2x320000xi32, #tpu.memory_space<hbm>> -> memref<1x10000xi32, #tpu.memory_space<hbm>>
      %dma_wait3A_114 = tpu.memref_squeeze %dma_wait3A_113 : memref<1x10000xi32, #tpu.memory_space<hbm>> -> memref<10000xi32, #tpu.memory_space<hbm>>
      tpu.wait_dma2 semaphore(%run_scoped3A_106 : memref<!tpu.dma_semaphore, #tpu.memory_space<semaphore_mem>>) src(%dma_wait3A_114 : memref<10000xi32, #tpu.memory_space<hbm>>) dst(%arg7 : memref<10000xi32, #tpu.memory_space<vmem>>)
      tpu.yield
    }) : () -> ()
    %run_scoped3A_6 = arith.constant 1 : i32
    "tpu.region"() ({
      %run_scoped3A_106 = tpu.sem_alloc : memref<!tpu.dma_semaphore, #tpu.memory_space<semaphore_mem>>
      %dma_start3A_107 = tpu.memref_slice %arg3[%run_scoped3A_6, %multiple_of3A] : memref<2x320000xi32, #tpu.memory_space<hbm>> -> memref<1x10000xi32, #tpu.memory_space<hbm>>
      %dma_start3A_108 = tpu.memref_squeeze %dma_start3A_107 : memref<1x10000xi32, #tpu.memory_space<hbm>> -> memref<10000xi32, #tpu.memory_space<hbm>>
      %dma_start3A_109 = tpu.memref_slice %arg3[%run_scoped3A_6, %multiple_of3A] : memref<2x320000xi32, #tpu.memory_space<hbm>> -> memref<1x10000xi32, #tpu.memory_space<hbm>>
      %dma_start3A_110 = tpu.memref_squeeze %dma_start3A_109 : memref<1x10000xi32, #tpu.memory_space<hbm>> -> memref<10000xi32, #tpu.memory_space<hbm>>
      tpu.enqueue_dma source(%dma_start3A_110 : memref<10000xi32, #tpu.memory_space<hbm>>) target(%arg8 : memref<10000xi32, #tpu.memory_space<vmem>>) target_semaphore(%run_scoped3A_106 : memref<!tpu.dma_semaphore, #tpu.memory_space<semaphore_mem>>)
      %dma_wait3A_111 = tpu.memref_slice %arg3[%run_scoped3A_6, %multiple_of3A] : memref<2x320000xi32, #tpu.memory_space<hbm>> -> memref<1x10000xi32, #tpu.memory_space<hbm>>
      %dma_wait3A_112 = tpu.memref_squeeze %dma_wait3A_111 : memref<1x10000xi32, #tpu.memory_space<hbm>> -> memref<10000xi32, #tpu.memory_space<hbm>>
      %dma_wait3A_113 = tpu.memref_slice %arg3[%run_scoped3A_6, %multiple_of3A] : memref<2x320000xi32, #tpu.memory_space<hbm>> -> memref<1x10000xi32, #tpu.memory_space<hbm>>
      %dma_wait3A_114 = tpu.memref_squeeze %dma_wait3A_113 : memref<1x10000xi32, #tpu.memory_space<hbm>> -> memref<10000xi32, #tpu.memory_space<hbm>>
      tpu.wait_dma2 semaphore(%run_scoped3A_106 : memref<!tpu.dma_semaphore, #tpu.memory_space<semaphore_mem>>) src(%dma_wait3A_114 : memref<10000xi32, #tpu.memory_space<hbm>>) dst(%arg8 : memref<10000xi32, #tpu.memory_space<vmem>>)
      tpu.yield
    }) : () -> ()
    %barrier3A = arith.constant 0 : index
    tpu.barrier barrier_id(%barrier3A)
    %dma_start3A = arith.constant 0 : i32
    %dma_start3A_7 = arith.constant 0 : i32
    %dma_start3A_8 = arith.constant 0 : i32
    %dma_start3A_9 = tpu.memref_slice %arg9[%dma_start3A, %dma_start3A_7, %dma_start3A_8] : memref<8x80x40xf32, #tpu.memory_space<vmem>> -> memref<1x80x40xf32, #tpu.memory_space<vmem>>
    %dma_start3A_10 = tpu.memref_squeeze %dma_start3A_9 : memref<1x80x40xf32, #tpu.memory_space<vmem>> -> memref<80x40xf32, #tpu.memory_space<vmem>>
    %dma_start3A_11 = arith.constant 0 : i32
    %dma_start3A_12 = tpu.memref_slice %arg7[%dma_start3A_11] : memref<10000xi32, #tpu.memory_space<vmem>> -> memref<80xi32, #tpu.memory_space<vmem>>
    %dma_start3A_13 = arith.constant 0 : i32
    %dma_start3A_14 = arith.constant 0 : i32
    %dma_start3A_15 = tpu.memref_slice %arg2[%dma_start3A_13, %dma_start3A_14] : memref<10240x40xf32, #tpu.memory_space<hbm>> -> memref<10240x40xf32, #tpu.memory_space<hbm>>
    tpu.enqueue_indirect_dma source(%dma_start3A_15 : memref<10240x40xf32, #tpu.memory_space<hbm>>) target(%dma_start3A_10 : memref<80x40xf32, #tpu.memory_space<vmem>>) offsets(%dma_start3A_12 : memref<80xi32, #tpu.memory_space<vmem>>) semaphore(%arg10 : memref<!tpu.dma_semaphore, #tpu.memory_space<semaphore_mem>>)
    %dma_start3A_16 = arith.constant 1 : i32
    %dma_start3A_17 = arith.constant 0 : i32
    %dma_start3A_18 = arith.constant 0 : i32
    %dma_start3A_19 = tpu.memref_slice %arg9[%dma_start3A_16, %dma_start3A_17, %dma_start3A_18] : memref<8x80x40xf32, #tpu.memory_space<vmem>> -> memref<1x80x40xf32, #tpu.memory_space<vmem>>
    %dma_start3A_20 = tpu.memref_squeeze %dma_start3A_19 : memref<1x80x40xf32, #tpu.memory_space<vmem>> -> memref<80x40xf32, #tpu.memory_space<vmem>>
    %dma_start3A_21 = arith.constant 80 : i32
    %dma_start3A_22 = tpu.memref_slice %arg7[%dma_start3A_21] : memref<10000xi32, #tpu.memory_space<vmem>> -> memref<80xi32, #tpu.memory_space<vmem>>
    %dma_start3A_23 = arith.constant 0 : i32
    %dma_start3A_24 = arith.constant 0 : i32
    %dma_start3A_25 = tpu.memref_slice %arg2[%dma_start3A_23, %dma_start3A_24] : memref<10240x40xf32, #tpu.memory_space<hbm>> -> memref<10240x40xf32, #tpu.memory_space<hbm>>
    tpu.enqueue_indirect_dma source(%dma_start3A_25 : memref<10240x40xf32, #tpu.memory_space<hbm>>) target(%dma_start3A_20 : memref<80x40xf32, #tpu.memory_space<vmem>>) offsets(%dma_start3A_22 : memref<80xi32, #tpu.memory_space<vmem>>) semaphore(%arg10 : memref<!tpu.dma_semaphore, #tpu.memory_space<semaphore_mem>>)
    %dma_start3A_26 = arith.constant 2 : i32
    %dma_start3A_27 = arith.constant 0 : i32
    %dma_start3A_28 = arith.constant 0 : i32
    %dma_start3A_29 = tpu.memref_slice %arg9[%dma_start3A_26, %dma_start3A_27, %dma_start3A_28] : memref<8x80x40xf32, #tpu.memory_space<vmem>> -> memref<1x80x40xf32, #tpu.memory_space<vmem>>
    %dma_start3A_30 = tpu.memref_squeeze %dma_start3A_29 : memref<1x80x40xf32, #tpu.memory_space<vmem>> -> memref<80x40xf32, #tpu.memory_space<vmem>>
    %dma_start3A_31 = arith.constant 160 : i32
    %dma_start3A_32 = tpu.memref_slice %arg7[%dma_start3A_31] : memref<10000xi32, #tpu.memory_space<vmem>> -> memref<80xi32, #tpu.memory_space<vmem>>
    %dma_start3A_33 = arith.constant 0 : i32
    %dma_start3A_34 = arith.constant 0 : i32
    %dma_start3A_35 = tpu.memref_slice %arg2[%dma_start3A_33, %dma_start3A_34] : memref<10240x40xf32, #tpu.memory_space<hbm>> -> memref<10240x40xf32, #tpu.memory_space<hbm>>
    tpu.enqueue_indirect_dma source(%dma_start3A_35 : memref<10240x40xf32, #tpu.memory_space<hbm>>) target(%dma_start3A_30 : memref<80x40xf32, #tpu.memory_space<vmem>>) offsets(%dma_start3A_32 : memref<80xi32, #tpu.memory_space<vmem>>) semaphore(%arg10 : memref<!tpu.dma_semaphore, #tpu.memory_space<semaphore_mem>>)
    %dma_start3A_36 = arith.constant 3 : i32
    %dma_start3A_37 = arith.constant 0 : i32
    %dma_start3A_38 = arith.constant 0 : i32
    %dma_start3A_39 = tpu.memref_slice %arg9[%dma_start3A_36, %dma_start3A_37, %dma_start3A_38] : memref<8x80x40xf32, #tpu.memory_space<vmem>> -> memref<1x80x40xf32, #tpu.memory_space<vmem>>
    %dma_start3A_40 = tpu.memref_squeeze %dma_start3A_39 : memref<1x80x40xf32, #tpu.memory_space<vmem>> -> memref<80x40xf32, #tpu.memory_space<vmem>>
    %dma_start3A_41 = arith.constant 240 : i32
    %dma_start3A_42 = tpu.memref_slice %arg7[%dma_start3A_41] : memref<10000xi32, #tpu.memory_space<vmem>> -> memref<80xi32, #tpu.memory_space<vmem>>
    %dma_start3A_43 = arith.constant 0 : i32
    %dma_start3A_44 = arith.constant 0 : i32
    %dma_start3A_45 = tpu.memref_slice %arg2[%dma_start3A_43, %dma_start3A_44] : memref<10240x40xf32, #tpu.memory_space<hbm>> -> memref<10240x40xf32, #tpu.memory_space<hbm>>
    tpu.enqueue_indirect_dma source(%dma_start3A_45 : memref<10240x40xf32, #tpu.memory_space<hbm>>) target(%dma_start3A_40 : memref<80x40xf32, #tpu.memory_space<vmem>>) offsets(%dma_start3A_42 : memref<80xi32, #tpu.memory_space<vmem>>) semaphore(%arg10 : memref<!tpu.dma_semaphore, #tpu.memory_space<semaphore_mem>>)
    %dma_start3A_46 = arith.constant 4 : i32
    %dma_start3A_47 = arith.constant 0 : i32
    %dma_start3A_48 = arith.constant 0 : i32
    %dma_start3A_49 = tpu.memref_slice %arg9[%dma_start3A_46, %dma_start3A_47, %dma_start3A_48] : memref<8x80x40xf32, #tpu.memory_space<vmem>> -> memref<1x80x40xf32, #tpu.memory_space<vmem>>
    %dma_start3A_50 = tpu.memref_squeeze %dma_start3A_49 : memref<1x80x40xf32, #tpu.memory_space<vmem>> -> memref<80x40xf32, #tpu.memory_space<vmem>>
    %dma_start3A_51 = arith.constant 320 : i32
    %dma_start3A_52 = tpu.memref_slice %arg7[%dma_start3A_51] : memref<10000xi32, #tpu.memory_space<vmem>> -> memref<80xi32, #tpu.memory_space<vmem>>
    %dma_start3A_53 = arith.constant 0 : i32
    %dma_start3A_54 = arith.constant 0 : i32
    %dma_start3A_55 = tpu.memref_slice %arg2[%dma_start3A_53, %dma_start3A_54] : memref<10240x40xf32, #tpu.memory_space<hbm>> -> memref<10240x40xf32, #tpu.memory_space<hbm>>
    tpu.enqueue_indirect_dma source(%dma_start3A_55 : memref<10240x40xf32, #tpu.memory_space<hbm>>) target(%dma_start3A_50 : memref<80x40xf32, #tpu.memory_space<vmem>>) offsets(%dma_start3A_52 : memref<80xi32, #tpu.memory_space<vmem>>) semaphore(%arg10 : memref<!tpu.dma_semaphore, #tpu.memory_space<semaphore_mem>>)
    %scan3A = arith.constant 0 : i32
    %scan3A_56 = arith.constant 0 : i32
    %scan3A_57 = arith.constant 125 : i32
    %scan3A_58 = arith.addi %scan3A_56, %scan3A_57 : i32
    %scan3A_59 = arith.constant 1 : i32
    scf.for %scan3A_106 = %scan3A_56 to %scan3A_58 step %scan3A_59  : i32 {
      %rem3A = arith.constant 8 : i32
      %rem3A_107 = arith.remsi %scan3A_106, %rem3A : i32
      %mul3A_108 = arith.constant 80 : i32
      %mul3A_109 = arith.muli %scan3A_106, %mul3A_108 : i32
      %multiple_of3A_110 = tpu.assume_multiple %mul3A_109, 8 : i32
      %dma_wait3A_111 = arith.constant 0 : i32
      %dma_wait3A_112 = arith.constant 0 : i32
      %dma_wait3A_113 = tpu.memref_slice %arg9[%rem3A_107, %dma_wait3A_111, %dma_wait3A_112] : memref<8x80x40xf32, #tpu.memory_space<vmem>> -> memref<1x80x40xf32, #tpu.memory_space<vmem>>
      %dma_wait3A_114 = tpu.memref_squeeze %dma_wait3A_113 : memref<1x80x40xf32, #tpu.memory_space<vmem>> -> memref<80x40xf32, #tpu.memory_space<vmem>>
      %dma_wait3A_115 = tpu.memref_slice %arg7[%multiple_of3A_110] : memref<10000xi32, #tpu.memory_space<vmem>> -> memref<80xi32, #tpu.memory_space<vmem>>
      %dma_wait3A_116 = arith.constant 0 : i32
      %dma_wait3A_117 = arith.constant 0 : i32
      %dma_wait3A_118 = tpu.memref_slice %arg2[%dma_wait3A_116, %dma_wait3A_117] : memref<10240x40xf32, #tpu.memory_space<hbm>> -> memref<10240x40xf32, #tpu.memory_space<hbm>>
      tpu.wait_indirect_dma semaphore(%arg10 : memref<!tpu.dma_semaphore, #tpu.memory_space<semaphore_mem>>) src(%dma_wait3A_118 : memref<10240x40xf32, #tpu.memory_space<hbm>>) dst(%dma_wait3A_114 : memref<80x40xf32, #tpu.memory_space<vmem>>)
      %ge3A = arith.constant 3 : i32
      %ge3A_119 = arith.cmpi sge, %scan3A_106, %ge3A : i32
      %convert_element_type3A = arith.extui %ge3A_119 : i1 to i32
      %cond3A = arith.constant 0 : i32
      %cond3A_120 = arith.cmpi ne, %convert_element_type3A, %cond3A : i32
      scf.if %cond3A_120 {
        %dma_wait3A_133 = arith.constant 0 : i32
        %dma_wait3A_134 = arith.constant 0 : i32
        %dma_wait3A_135 = arith.constant 0 : i32
        %dma_wait3A_136 = tpu.memref_slice %arg9[%dma_wait3A_133, %dma_wait3A_134, %dma_wait3A_135] : memref<8x80x40xf32, #tpu.memory_space<vmem>> -> memref<1x80x40xf32, #tpu.memory_space<vmem>>
        %dma_wait3A_137 = tpu.memref_squeeze %dma_wait3A_136 : memref<1x80x40xf32, #tpu.memory_space<vmem>> -> memref<80x40xf32, #tpu.memory_space<vmem>>
        %dma_wait3A_138 = arith.constant 0 : i32
        %dma_wait3A_139 = arith.constant 0 : i32
        %dma_wait3A_140 = tpu.memref_slice %arg6[%dma_wait3A_138, %dma_wait3A_139] : memref<10240x40xf32, #tpu.memory_space<vmem_shared>> -> memref<80x40xf32, #tpu.memory_space<vmem_shared>>
        %dma_wait3A_141 = arith.constant 0 : i32
        %dma_wait3A_142 = arith.constant 0 : i32
        %dma_wait3A_143 = tpu.memref_slice %arg6[%dma_wait3A_141, %dma_wait3A_142] : memref<10240x40xf32, #tpu.memory_space<vmem_shared>> -> memref<80x40xf32, #tpu.memory_space<vmem_shared>>
        %dma_wait3A_144 = arith.constant 0 : i32
        %dma_wait3A_145 = arith.constant 0 : i32
        %dma_wait3A_146 = tpu.memref_slice %arg9[%dma_wait3A_133, %dma_wait3A_144, %dma_wait3A_145] : memref<8x80x40xf32, #tpu.memory_space<vmem>> -> memref<1x80x40xf32, #tpu.memory_space<vmem>>
        %dma_wait3A_147 = tpu.memref_squeeze %dma_wait3A_146 : memref<1x80x40xf32, #tpu.memory_space<vmem>> -> memref<80x40xf32, #tpu.memory_space<vmem>>
        tpu.wait_dma2 semaphore(%arg11 : memref<!tpu.dma_semaphore, #tpu.memory_space<semaphore_mem>>) src(%dma_wait3A_147 : memref<80x40xf32, #tpu.memory_space<vmem>>) dst(%dma_wait3A_143 : memref<80x40xf32, #tpu.memory_space<vmem_shared>>)
      } else {
      }
      %lt3A = arith.constant 120 : i32
      %lt3A_121 = arith.cmpi slt, %scan3A_106, %lt3A : i32
      %convert_element_type3A_122 = arith.extui %lt3A_121 : i1 to i32
      %cond3A_123 = arith.constant 0 : i32
      %cond3A_124 = arith.cmpi ne, %convert_element_type3A_122, %cond3A_123 : i32
      scf.if %cond3A_124 {
        %add3A_133 = arith.constant 5 : i32
        %add3A_134 = arith.addi %scan3A_106, %add3A_133 : i32
        %mul3A_135 = arith.constant 80 : i32
        %mul3A_136 = arith.muli %add3A_134, %mul3A_135 : i32
        %multiple_of3A_137 = tpu.assume_multiple %mul3A_136, 8 : i32
        %add3A_138 = arith.constant 5 : i32
        %add3A_139 = arith.addi %scan3A_106, %add3A_138 : i32
        %rem3A_140 = arith.constant 8 : i32
        %rem3A_141 = arith.remsi %add3A_139, %rem3A_140 : i32
        %dma_start3A_142 = arith.constant 0 : i32
        %dma_start3A_143 = arith.constant 0 : i32
        %dma_start3A_144 = tpu.memref_slice %arg9[%rem3A_141, %dma_start3A_142, %dma_start3A_143] : memref<8x80x40xf32, #tpu.memory_space<vmem>> -> memref<1x80x40xf32, #tpu.memory_space<vmem>>
        %dma_start3A_145 = tpu.memref_squeeze %dma_start3A_144 : memref<1x80x40xf32, #tpu.memory_space<vmem>> -> memref<80x40xf32, #tpu.memory_space<vmem>>
        %dma_start3A_146 = tpu.memref_slice %arg7[%multiple_of3A_137] : memref<10000xi32, #tpu.memory_space<vmem>> -> memref<80xi32, #tpu.memory_space<vmem>>
        %dma_start3A_147 = arith.constant 0 : i32
        %dma_start3A_148 = arith.constant 0 : i32
        %dma_start3A_149 = tpu.memref_slice %arg2[%dma_start3A_147, %dma_start3A_148] : memref<10240x40xf32, #tpu.memory_space<hbm>> -> memref<10240x40xf32, #tpu.memory_space<hbm>>
        tpu.enqueue_indirect_dma source(%dma_start3A_149 : memref<10240x40xf32, #tpu.memory_space<hbm>>) target(%dma_start3A_145 : memref<80x40xf32, #tpu.memory_space<vmem>>) offsets(%dma_start3A_146 : memref<80xi32, #tpu.memory_space<vmem>>) semaphore(%arg10 : memref<!tpu.dma_semaphore, #tpu.memory_space<semaphore_mem>>)
      } else {
      }
      %dma_start3A_125 = arith.constant 0 : i32
      %dma_start3A_126 = arith.constant 0 : i32
      %dma_start3A_127 = tpu.memref_slice %arg9[%rem3A_107, %dma_start3A_125, %dma_start3A_126] : memref<8x80x40xf32, #tpu.memory_space<vmem>> -> memref<1x80x40xf32, #tpu.memory_space<vmem>>
      %dma_start3A_128 = tpu.memref_squeeze %dma_start3A_127 : memref<1x80x40xf32, #tpu.memory_space<vmem>> -> memref<80x40xf32, #tpu.memory_space<vmem>>
      %dma_start3A_129 = tpu.memref_slice %arg8[%multiple_of3A_110] : memref<10000xi32, #tpu.memory_space<vmem>> -> memref<80xi32, #tpu.memory_space<vmem>>
      %dma_start3A_130 = arith.constant 0 : i32
      %dma_start3A_131 = arith.constant 0 : i32
      %dma_start3A_132 = tpu.memref_slice %arg6[%dma_start3A_130, %dma_start3A_131] : memref<10240x40xf32, #tpu.memory_space<vmem_shared>> -> memref<10240x40xf32, #tpu.memory_space<vmem_shared>>
      tpu.enqueue_indirect_dma source(%dma_start3A_128 : memref<80x40xf32, #tpu.memory_space<vmem>>) target(%dma_start3A_132 : memref<10240x40xf32, #tpu.memory_space<vmem_shared>>) offsets(%dma_start3A_129 : memref<80xi32, #tpu.memory_space<vmem>>) semaphore(%arg11 : memref<!tpu.dma_semaphore, #tpu.memory_space<semaphore_mem>>) {add = true}
    }
    %scan3A_60 = arith.constant 125 : i32
    %dma_wait3A = arith.constant 0 : i32
    %dma_wait3A_61 = arith.constant 0 : i32
    %dma_wait3A_62 = arith.constant 0 : i32
    %dma_wait3A_63 = tpu.memref_slice %arg9[%dma_wait3A, %dma_wait3A_61, %dma_wait3A_62] : memref<8x80x40xf32, #tpu.memory_space<vmem>> -> memref<1x80x40xf32, #tpu.memory_space<vmem>>
    %dma_wait3A_64 = tpu.memref_squeeze %dma_wait3A_63 : memref<1x80x40xf32, #tpu.memory_space<vmem>> -> memref<80x40xf32, #tpu.memory_space<vmem>>
    %dma_wait3A_65 = arith.constant 0 : i32
    %dma_wait3A_66 = arith.constant 0 : i32
    %dma_wait3A_67 = tpu.memref_slice %arg6[%dma_wait3A_65, %dma_wait3A_66] : memref<10240x40xf32, #tpu.memory_space<vmem_shared>> -> memref<80x40xf32, #tpu.memory_space<vmem_shared>>
    %dma_wait3A_68 = arith.constant 0 : i32
    %dma_wait3A_69 = arith.constant 0 : i32
    %dma_wait3A_70 = tpu.memref_slice %arg6[%dma_wait3A_68, %dma_wait3A_69] : memref<10240x40xf32, #tpu.memory_space<vmem_shared>> -> memref<80x40xf32, #tpu.memory_space<vmem_shared>>
    %dma_wait3A_71 = arith.constant 0 : i32
    %dma_wait3A_72 = arith.constant 0 : i32
    %dma_wait3A_73 = tpu.memref_slice %arg9[%dma_wait3A, %dma_wait3A_71, %dma_wait3A_72] : memref<8x80x40xf32, #tpu.memory_space<vmem>> -> memref<1x80x40xf32, #tpu.memory_space<vmem>>
    %dma_wait3A_74 = tpu.memref_squeeze %dma_wait3A_73 : memref<1x80x40xf32, #tpu.memory_space<vmem>> -> memref<80x40xf32, #tpu.memory_space<vmem>>
    tpu.wait_dma2 semaphore(%arg11 : memref<!tpu.dma_semaphore, #tpu.memory_space<semaphore_mem>>) src(%dma_wait3A_74 : memref<80x40xf32, #tpu.memory_space<vmem>>) dst(%dma_wait3A_70 : memref<80x40xf32, #tpu.memory_space<vmem_shared>>)
    %dma_wait3A_75 = arith.constant 0 : i32
    %dma_wait3A_76 = arith.constant 0 : i32
    %dma_wait3A_77 = arith.constant 0 : i32
    %dma_wait3A_78 = tpu.memref_slice %arg9[%dma_wait3A_75, %dma_wait3A_76, %dma_wait3A_77] : memref<8x80x40xf32, #tpu.memory_space<vmem>> -> memref<1x80x40xf32, #tpu.memory_space<vmem>>
    %dma_wait3A_79 = tpu.memref_squeeze %dma_wait3A_78 : memref<1x80x40xf32, #tpu.memory_space<vmem>> -> memref<80x40xf32, #tpu.memory_space<vmem>>
    %dma_wait3A_80 = arith.constant 0 : i32
    %dma_wait3A_81 = arith.constant 0 : i32
    %dma_wait3A_82 = tpu.memref_slice %arg6[%dma_wait3A_80, %dma_wait3A_81] : memref<10240x40xf32, #tpu.memory_space<vmem_shared>> -> memref<80x40xf32, #tpu.memory_space<vmem_shared>>
    %dma_wait3A_83 = arith.constant 0 : i32
    %dma_wait3A_84 = arith.constant 0 : i32
    %dma_wait3A_85 = tpu.memref_slice %arg6[%dma_wait3A_83, %dma_wait3A_84] : memref<10240x40xf32, #tpu.memory_space<vmem_shared>> -> memref<80x40xf32, #tpu.memory_space<vmem_shared>>
    %dma_wait3A_86 = arith.constant 0 : i32
    %dma_wait3A_87 = arith.constant 0 : i32
    %dma_wait3A_88 = tpu.memref_slice %arg9[%dma_wait3A_75, %dma_wait3A_86, %dma_wait3A_87] : memref<8x80x40xf32, #tpu.memory_space<vmem>> -> memref<1x80x40xf32, #tpu.memory_space<vmem>>
    %dma_wait3A_89 = tpu.memref_squeeze %dma_wait3A_88 : memref<1x80x40xf32, #tpu.memory_space<vmem>> -> memref<80x40xf32, #tpu.memory_space<vmem>>
    tpu.wait_dma2 semaphore(%arg11 : memref<!tpu.dma_semaphore, #tpu.memory_space<semaphore_mem>>) src(%dma_wait3A_89 : memref<80x40xf32, #tpu.memory_space<vmem>>) dst(%dma_wait3A_85 : memref<80x40xf32, #tpu.memory_space<vmem_shared>>)
    %dma_wait3A_90 = arith.constant 0 : i32
    %dma_wait3A_91 = arith.constant 0 : i32
    %dma_wait3A_92 = arith.constant 0 : i32
    %dma_wait3A_93 = tpu.memref_slice %arg9[%dma_wait3A_90, %dma_wait3A_91, %dma_wait3A_92] : memref<8x80x40xf32, #tpu.memory_space<vmem>> -> memref<1x80x40xf32, #tpu.memory_space<vmem>>
    %dma_wait3A_94 = tpu.memref_squeeze %dma_wait3A_93 : memref<1x80x40xf32, #tpu.memory_space<vmem>> -> memref<80x40xf32, #tpu.memory_space<vmem>>
    %dma_wait3A_95 = arith.constant 0 : i32
    %dma_wait3A_96 = arith.constant 0 : i32
    %dma_wait3A_97 = tpu.memref_slice %arg6[%dma_wait3A_95, %dma_wait3A_96] : memref<10240x40xf32, #tpu.memory_space<vmem_shared>> -> memref<80x40xf32, #tpu.memory_space<vmem_shared>>
    %dma_wait3A_98 = arith.constant 0 : i32
    %dma_wait3A_99 = arith.constant 0 : i32
    %dma_wait3A_100 = tpu.memref_slice %arg6[%dma_wait3A_98, %dma_wait3A_99] : memref<10240x40xf32, #tpu.memory_space<vmem_shared>> -> memref<80x40xf32, #tpu.memory_space<vmem_shared>>
    %dma_wait3A_101 = arith.constant 0 : i32
    %dma_wait3A_102 = arith.constant 0 : i32
    %dma_wait3A_103 = tpu.memref_slice %arg9[%dma_wait3A_90, %dma_wait3A_101, %dma_wait3A_102] : memref<8x80x40xf32, #tpu.memory_space<vmem>> -> memref<1x80x40xf32, #tpu.memory_space<vmem>>
    %dma_wait3A_104 = tpu.memref_squeeze %dma_wait3A_103 : memref<1x80x40xf32, #tpu.memory_space<vmem>> -> memref<80x40xf32, #tpu.memory_space<vmem>>
    tpu.wait_dma2 semaphore(%arg11 : memref<!tpu.dma_semaphore, #tpu.memory_space<semaphore_mem>>) src(%dma_wait3A_104 : memref<80x40xf32, #tpu.memory_space<vmem>>) dst(%dma_wait3A_100 : memref<80x40xf32, #tpu.memory_space<vmem_shared>>)
    %barrier3A_105 = arith.constant 0 : index
    tpu.barrier barrier_id(%barrier3A_105)
    "tpu.region"() ({
      %run_scoped3A_106 = tpu.sem_alloc : memref<!tpu.dma_semaphore, #tpu.memory_space<semaphore_mem>>
      %dma_start3A_107 = arith.constant 0 : i32
      %dma_start3A_108 = tpu.memref_slice %arg5[%arg0, %multiple_of3A_5, %dma_start3A_107] : memref<2x10240x40xf32, #tpu.memory_space<hbm>> -> memref<1x640x40xf32, #tpu.memory_space<hbm>>
      %dma_start3A_109 = tpu.memref_squeeze %dma_start3A_108 : memref<1x640x40xf32, #tpu.memory_space<hbm>> -> memref<640x40xf32, #tpu.memory_space<hbm>>
      %dma_start3A_110 = arith.constant 0 : i32
      %dma_start3A_111 = tpu.memref_slice %arg6[%multiple_of3A_5, %dma_start3A_110] : memref<10240x40xf32, #tpu.memory_space<vmem_shared>> -> memref<640x40xf32, #tpu.memory_space<vmem_shared>>
      tpu.enqueue_dma source(%dma_start3A_111 : memref<640x40xf32, #tpu.memory_space<vmem_shared>>) target(%dma_start3A_109 : memref<640x40xf32, #tpu.memory_space<hbm>>) target_semaphore(%run_scoped3A_106 : memref<!tpu.dma_semaphore, #tpu.memory_space<semaphore_mem>>)
      %dma_wait3A_112 = arith.constant 0 : i32
      %dma_wait3A_113 = tpu.memref_slice %arg5[%arg0, %multiple_of3A_5, %dma_wait3A_112] : memref<2x10240x40xf32, #tpu.memory_space<hbm>> -> memref<1x640x40xf32, #tpu.memory_space<hbm>>
      %dma_wait3A_114 = tpu.memref_squeeze %dma_wait3A_113 : memref<1x640x40xf32, #tpu.memory_space<hbm>> -> memref<640x40xf32, #tpu.memory_space<hbm>>
      %dma_wait3A_115 = arith.constant 0 : i32
      %dma_wait3A_116 = tpu.memref_slice %arg6[%multiple_of3A_5, %dma_wait3A_115] : memref<10240x40xf32, #tpu.memory_space<vmem_shared>> -> memref<640x40xf32, #tpu.memory_space<vmem_shared>>
      tpu.wait_dma2 semaphore(%run_scoped3A_106 : memref<!tpu.dma_semaphore, #tpu.memory_space<semaphore_mem>>) src(%dma_wait3A_116 : memref<640x40xf32, #tpu.memory_space<vmem_shared>>) dst(%dma_wait3A_114 : memref<640x40xf32, #tpu.memory_space<hbm>>)
      tpu.yield
    }) : () -> ()
    return
  }
}

module attributes {stable_mosaic.version = 14 : i64} {
  func.func @_mid_body(%arg0: i32, %arg1: memref<2x1280x128xf32, #tpu.memory_space<vmem>>, %arg2: memref<128x128xf32, #tpu.memory_space<vmem>>, %arg3: memref<128xf32, #tpu.memory_space<vmem>>, %arg4: memref<128xf32, #tpu.memory_space<vmem>>, %arg5: memref<128xf32, #tpu.memory_space<vmem>>, %arg6: memref<128xf32, #tpu.memory_space<vmem>>, %arg7: memref<128xf32, #tpu.memory_space<vmem>>, %arg8: memref<128x40xf32, #tpu.memory_space<vmem>>, %arg9: memref<1280x40xf32, #tpu.memory_space<vmem>>) attributes {dimension_semantics = [#tpu.dimension_semantics<arbitrary>], iteration_bounds = array<i64: 8>, scalar_prefetch = 0 : i64, scratch_operands = 0 : i64, tpu.core_type = #tpu.core_type<tc>, window_params = [{transform_indices = @transform_0, window_bounds = array<i64: 2, 1280, 128>}, {pipeline_mode = #tpu.pipeline_mode<synchronous>, transform_indices = @transform_1, window_bounds = array<i64: 128, 128>}, {pipeline_mode = #tpu.pipeline_mode<synchronous>, transform_indices = @transform_2, window_bounds = array<i64: 128>}, {pipeline_mode = #tpu.pipeline_mode<synchronous>, transform_indices = @transform_3, window_bounds = array<i64: 128>}, {pipeline_mode = #tpu.pipeline_mode<synchronous>, transform_indices = @transform_4, window_bounds = array<i64: 128>}, {pipeline_mode = #tpu.pipeline_mode<synchronous>, transform_indices = @transform_5, window_bounds = array<i64: 128>}, {pipeline_mode = #tpu.pipeline_mode<synchronous>, transform_indices = @transform_6, window_bounds = array<i64: 128>}, {pipeline_mode = #tpu.pipeline_mode<synchronous>, transform_indices = @transform_7, window_bounds = array<i64: 128, 40>}, {transform_indices = @transform_8, window_bounds = array<i64: 1280, 40>}]} {
    %get3A = arith.constant 0 : index
    %get3A_0 = arith.constant 0 : index
    %get3A_1 = arith.constant 0 : index
    %get3A_2 = vector.load %arg1[%get3A, %get3A_0, %get3A_1] : memref<2x1280x128xf32, #tpu.memory_space<vmem>>, vector<1x1280x128xf32>
    %get3A_3 = vector.shape_cast %get3A_2 : vector<1x1280x128xf32> to vector<1280x128xf32>
    %get3A_4 = arith.constant 1 : index
    %get3A_5 = arith.constant 0 : index
    %get3A_6 = arith.constant 0 : index
    %get3A_7 = vector.load %arg1[%get3A_4, %get3A_5, %get3A_6] : memref<2x1280x128xf32, #tpu.memory_space<vmem>>, vector<1x1280x128xf32>
    %get3A_8 = vector.shape_cast %get3A_7 : vector<1x1280x128xf32> to vector<1280x128xf32>
    %add3A = arith.addf %get3A_3, %get3A_8 : vector<1280x128xf32>
    %get3A_9 = arith.constant 0 : index
    %get3A_10 = arith.constant 0 : index
    %get3A_11 = vector.load %arg2[%get3A_9, %get3A_10] : memref<128x128xf32, #tpu.memory_space<vmem>>, vector<128x128xf32>
    %dot_general3A = arith.constant dense<0.000000e+00> : vector<1280x128xf32>
    %dot_general3A_12 = tpu.matmul %add3A, %get3A_11, %dot_general3A {dimension_numbers = #tpu.dot_dimension_numbers<[1], [0], [0], [1], [0, 0, 1, 1], [], []>, transpose_lhs_hint = false} : vector<1280x128xf32>, vector<128x128xf32>, vector<1280x128xf32> -> vector<1280x128xf32>
    %get3A_13 = arith.constant 0 : index
    %get3A_14 = vector.load %arg3[%get3A_13] : memref<128xf32, #tpu.memory_space<vmem>>, vector<128xf32>
    %broadcast_in_dim3A = vector.shape_cast %get3A_14 : vector<128xf32> to vector<1x128xf32>
    %add3A_15 = vector.broadcast %broadcast_in_dim3A : vector<1x128xf32> to vector<1280x128xf32>
    %add3A_16 = arith.addf %dot_general3A_12, %add3A_15 : vector<1280x128xf32>
    %get3A_17 = arith.constant 0 : index
    %get3A_18 = vector.load %arg4[%get3A_17] : memref<128xf32, #tpu.memory_space<vmem>>, vector<128xf32>
    %get3A_19 = arith.constant 0 : index
    %get3A_20 = vector.load %arg7[%get3A_19] : memref<128xf32, #tpu.memory_space<vmem>>, vector<128xf32>
    %add3A_21 = arith.constant 9.99999974E-6 : f32
    %add3A_22 = vector.broadcast %add3A_21 : f32 to vector<128xf32>
    %add3A_23 = arith.addf %get3A_20, %add3A_22 : vector<128xf32>
    %rsqrt3A = math.rsqrt %add3A_23 : vector<128xf32>
    %mul3A = arith.mulf %get3A_18, %rsqrt3A : vector<128xf32>
    %get3A_24 = arith.constant 0 : index
    %get3A_25 = vector.load %arg5[%get3A_24] : memref<128xf32, #tpu.memory_space<vmem>>, vector<128xf32>
    %get3A_26 = arith.constant 0 : index
    %get3A_27 = vector.load %arg6[%get3A_26] : memref<128xf32, #tpu.memory_space<vmem>>, vector<128xf32>
    %mul3A_28 = arith.mulf %get3A_27, %mul3A : vector<128xf32>
    %sub3A = arith.subf %get3A_25, %mul3A_28 : vector<128xf32>
    %broadcast_in_dim3A_29 = vector.shape_cast %mul3A : vector<128xf32> to vector<1x128xf32>
    %mul3A_30 = vector.broadcast %broadcast_in_dim3A_29 : vector<1x128xf32> to vector<1280x128xf32>
    %mul3A_31 = arith.mulf %add3A_16, %mul3A_30 : vector<1280x128xf32>
    %broadcast_in_dim3A_32 = vector.shape_cast %sub3A : vector<128xf32> to vector<1x128xf32>
    %add3A_33 = vector.broadcast %broadcast_in_dim3A_32 : vector<1x128xf32> to vector<1280x128xf32>
    %add3A_34 = arith.addf %mul3A_31, %add3A_33 : vector<1280x128xf32>
    %max3A = arith.constant 0.000000e+00 : f32
    %max3A_35 = vector.broadcast %max3A : f32 to vector<1280x128xf32>
    %max3A_36 = arith.maximumf %add3A_34, %max3A_35 : vector<1280x128xf32>
    %get3A_37 = arith.constant 0 : index
    %get3A_38 = arith.constant 0 : index
    %get3A_39 = vector.load %arg8[%get3A_37, %get3A_38] : memref<128x40xf32, #tpu.memory_space<vmem>>, vector<128x40xf32>
    %dot_general3A_40 = arith.constant dense<0.000000e+00> : vector<1280x40xf32>
    %dot_general3A_41 = tpu.matmul %max3A_36, %get3A_39, %dot_general3A_40 {dimension_numbers = #tpu.dot_dimension_numbers<[1], [0], [0], [1], [0, 0, 1, 1], [], []>, transpose_lhs_hint = false} : vector<1280x128xf32>, vector<128x40xf32>, vector<1280x40xf32> -> vector<1280x40xf32>
    %swap3A = arith.constant 0 : index
    %swap3A_42 = arith.constant 0 : index
    %swap3A_43 = vector.load %arg9[%swap3A, %swap3A_42] : memref<1280x40xf32, #tpu.memory_space<vmem>>, vector<1280x40xf32>
    tpu.vector_store %arg9[%swap3A, %swap3A_42], %dot_general3A_41 {strides = array<i32>} : memref<1280x40xf32, #tpu.memory_space<vmem>>, vector<1280x40xf32>,
    return
  }
  func.func @transform_0(%arg0: i32) -> (i32, i32, i32) {
    %c0_i32 = arith.constant 0 : i32
    %c0_i32_0 = arith.constant 0 : i32
    %c0_i32_1 = arith.constant 0 : i32
    return %c0_i32, %arg0, %c0_i32_0 : i32, i32, i32
  }
  func.func @transform_1(%arg0: i32) -> (i32, i32) {
    %c0_i32 = arith.constant 0 : i32
    %c0_i32_0 = arith.constant 0 : i32
    %c0_i32_1 = arith.constant 0 : i32
    return %c0_i32, %c0_i32_0 : i32, i32
  }
  func.func @transform_2(%arg0: i32) -> i32 {
    %c0_i32 = arith.constant 0 : i32
    %c0_i32_0 = arith.constant 0 : i32
    return %c0_i32 : i32
  }
  func.func @transform_3(%arg0: i32) -> i32 {
    %c0_i32 = arith.constant 0 : i32
    %c0_i32_0 = arith.constant 0 : i32
    return %c0_i32 : i32
  }
  func.func @transform_4(%arg0: i32) -> i32 {
    %c0_i32 = arith.constant 0 : i32
    %c0_i32_0 = arith.constant 0 : i32
    return %c0_i32 : i32
  }
  func.func @transform_5(%arg0: i32) -> i32 {
    %c0_i32 = arith.constant 0 : i32
    %c0_i32_0 = arith.constant 0 : i32
    return %c0_i32 : i32
  }
  func.func @transform_6(%arg0: i32) -> i32 {
    %c0_i32 = arith.constant 0 : i32
    %c0_i32_0 = arith.constant 0 : i32
    return %c0_i32 : i32
  }
  func.func @transform_7(%arg0: i32) -> (i32, i32) {
    %c0_i32 = arith.constant 0 : i32
    %c0_i32_0 = arith.constant 0 : i32
    %c0_i32_1 = arith.constant 0 : i32
    return %c0_i32, %c0_i32_0 : i32, i32
  }
  func.func @transform_8(%arg0: i32) -> (i32, i32) {
    %c0_i32 = arith.constant 0 : i32
    %c0_i32_0 = arith.constant 0 : i32
    return %arg0, %c0_i32 : i32, i32
  }
}

module attributes {stable_mosaic.version = 14 : i64} {
  func.func @_fin_body(%arg0: i32, %arg1: memref<2x1280x40xf32, #tpu.memory_space<vmem>>, %arg2: memref<40xf32, #tpu.memory_space<vmem>>, %arg3: memref<1280x40xf32, #tpu.memory_space<vmem>>) attributes {dimension_semantics = [#tpu.dimension_semantics<arbitrary>], iteration_bounds = array<i64: 8>, scalar_prefetch = 0 : i64, scratch_operands = 0 : i64, tpu.core_type = #tpu.core_type<tc>, window_params = [{transform_indices = @transform_0, window_bounds = array<i64: 2, 1280, 40>}, {pipeline_mode = #tpu.pipeline_mode<synchronous>, transform_indices = @transform_1, window_bounds = array<i64: 40>}, {transform_indices = @transform_2, window_bounds = array<i64: 1280, 40>}]} {
    %get3A = arith.constant 0 : index
    %get3A_0 = arith.constant 0 : index
    %get3A_1 = arith.constant 0 : index
    %get3A_2 = vector.load %arg1[%get3A, %get3A_0, %get3A_1] : memref<2x1280x40xf32, #tpu.memory_space<vmem>>, vector<1x1280x40xf32>
    %get3A_3 = vector.shape_cast %get3A_2 : vector<1x1280x40xf32> to vector<1280x40xf32>
    %get3A_4 = arith.constant 1 : index
    %get3A_5 = arith.constant 0 : index
    %get3A_6 = arith.constant 0 : index
    %get3A_7 = vector.load %arg1[%get3A_4, %get3A_5, %get3A_6] : memref<2x1280x40xf32, #tpu.memory_space<vmem>>, vector<1x1280x40xf32>
    %get3A_8 = vector.shape_cast %get3A_7 : vector<1x1280x40xf32> to vector<1280x40xf32>
    %add3A = arith.addf %get3A_3, %get3A_8 : vector<1280x40xf32>
    %get3A_9 = arith.constant 0 : index
    %get3A_10 = vector.load %arg2[%get3A_9] : memref<40xf32, #tpu.memory_space<vmem>>, vector<40xf32>
    %broadcast_in_dim3A = vector.shape_cast %get3A_10 : vector<40xf32> to vector<1x40xf32>
    %add3A_11 = vector.broadcast %broadcast_in_dim3A : vector<1x40xf32> to vector<1280x40xf32>
    %add3A_12 = arith.addf %add3A, %add3A_11 : vector<1280x40xf32>
    %swap3A = arith.constant 0 : index
    %swap3A_13 = arith.constant 0 : index
    %swap3A_14 = vector.load %arg3[%swap3A, %swap3A_13] : memref<1280x40xf32, #tpu.memory_space<vmem>>, vector<1280x40xf32>
    tpu.vector_store %arg3[%swap3A, %swap3A_13], %add3A_12 {strides = array<i32>} : memref<1280x40xf32, #tpu.memory_space<vmem>>, vector<1280x40xf32>,
    return
  }
  func.func @transform_0(%arg0: i32) -> (i32, i32, i32) {
    %c0_i32 = arith.constant 0 : i32
    %c0_i32_0 = arith.constant 0 : i32
    %c0_i32_1 = arith.constant 0 : i32
    return %c0_i32, %arg0, %c0_i32_0 : i32, i32, i32
  }
  func.func @transform_1(%arg0: i32) -> i32 {
    %c0_i32 = arith.constant 0 : i32
    %c0_i32_0 = arith.constant 0 : i32
    return %c0_i32 : i32
  }
  func.func @transform_2(%arg0: i32) -> (i32, i32) {
    %c0_i32 = arith.constant 0 : i32
    %c0_i32_0 = arith.constant 0 : i32
    return %arg0, %c0_i32 : i32, i32
  }
}

</mosaic_0001>

<sc_bundles>
// kernel: kernel.6.cloned.1.call-start
scs
__scs_entry_jumppad:
0x0: {  	(pc) =	sbr.rel $0x88, $3  }
0x1: {  	(tag) =	ssettag $0x0;
	lr =	simm.s32 $0x1  }
0x2: {  	[smem:$0x3F97] =	sst lr;
	_ =	strace $0xD0000000  }
0x3: {  	_ = 	snop  }
0x4: {  	_ = 	snop  }
0x5: {  	_ = 	snop  }
0x6: {  	_ = 	snop  }
0x7: {  	_ = 	snop  }
__scs_overlays_trampoline_lowered:
0x8: {  	[smem:$0x3FA6] =	sst s0  }
0x9: {  	[smem:$0x3FA7] =	sst s1  }
0xa: {  	[smem:$0x3FA8] =	sst s2  }
0xb: {  	[smem:$0x3FA9] =	sst s3  }
0xc: {  	[smem:$0x3FAA] =	sst s4  }
0xd: {  	[smem:$0x3FAB] =	sst s5  }
0xe: {  	[smem:$0x3FAC] =	sst s6  }
0xf: {  	[smem:$0x3FAD] =	sst s7  }
0x10: {  	[smem:$0x3FAE] =	sst s8  }
0x11: {  	[smem:$0x3FAF] =	sst s9;
	s0 =	simm.s32 @!p0 $0x0  }
0x12: {  	s1 =	sld [smem:$0x3F95];
	s0 =	simm.s32 @p0 $0x1  }
0x13: {  	[smem:$0x3FB0] =	sst s0;
	s0 =	simm.s32 @!p1 $0x0  }
0x14: {  	s2 =	sld [smem:$0x3F94];
	s0 =	simm.s32 @p1 $0x1  }
0x15: {  	[smem:$0x3FB1] =	sst s0;
	s0 =	simm.s32 @!p2 $0x0  }
0x16: {  	s3 =	sld [smem:$0x3FDB];
	s0 =	simm.s32 @p2 $0x1  }
0x17: {  	s4 =	simm.s32 $0x1BF5;
	[smem:$0x3FB3] =	sst s0  }
0x18: {  	s0 =	sld [smem:$0x3F96];
	_ =	swait.ge [sflag:s4], $0x0  }
0x19: {  	s7 =	sld [smem:$0x3F97]  }
0x1a: {  	s8 =	sadd.s32 $0xFFFFE003, lr  }
0x1b: {  	s9 =	sadd.s32 $0xFFFFFEF7, lr;
	s5 =	simm.s32 $0xFFFFFFFF;
	p2 =	slt.u32 s8, $0xFFFFF086  }
0x1c: {  	p1 =	slt.u32 s9, $0xF7A;
	s5 =	simm.s32 @!p2 $0x0  }
0x1d: {  	s5 =	simm.s32 @p1 $0x1;
	p0 =	seq.s32 s7, s2  }
0x1e: {  	s7 =	smul.u32 @!p0 $0xF7A, s2;
	p2 =	seq.s32 @!p0 s5, $0x0  }
0x1f: {  	s9 =	smul.u32 $0xF7A, s1;
	s8 =	simm.s32 @!p0 $0x1BF5;
	p2 =	por !p2, p0  }
0x20: {  	[sflag:s8] =	ssyncset.s32 @!p0 $0xFFFFF086;
	s6 =	sadd.s32 @!p0 s3, s7;
	s7 =	simm.s32 @!p0 $0x108  }
0x21: {  	s3 =	sadd.s32 s3, s9;
	s6 =	sadd.s32 @!p0 $0x88, s6;
	s7 =	simm.s32 @p2 $0x1082  }
0x22: {  	[simem:s7], [sflag:s8] =	dma.local @!p0 [hbm:s6], $0xF7A  }
0x23: {  	s9 =	sor.u32 $0xD0000000, s2;
	s6 =	simm.s32 $0x108;
	_ =	swait.ge @!p0 [sflag:s8], $0x0  }
0x24: {  	s3 =	sadd.s32 $0x88, s3;
	s6 =	simm.s32 @!p1 $0x1082;
	[sflag:s4] =	ssyncset.s32 $0xFFFFF086  }
0x25: {  	[simem:s6], [sflag:s4] =	dma.local [hbm:s3], $0xF7A  }
0x26: {  	[smem:$0x3F97] =	sst s1;
	(tag) =	ssettag s2;
	_ =	strace s9  }
0x27: {  	s1 =	sld [smem:$0x3FA7]  }
0x28: {  	s2 =	sld [smem:$0x3FA8]  }
0x29: {  	s4 =	sld [smem:$0x3FAA]  }
0x2a: {  	p0 =	seq.s32 s5, $0x0;
	s5 =	sld [smem:$0x3FAB]  }
0x2b: {  	s6 =	sld [smem:$0x3FAC]  }
0x2c: {  	s7 =	sld [smem:$0x3FAD]  }
0x2d: {  	s3 =	simm.s32 $0x108;
	s8 =	sld [smem:$0x3FAE]  }
0x2e: {  	s3 =	simm.s32 @!p0 $0x1082;
	s9 =	sld [smem:$0x3FAF]  }
0x2f: {  	lr =	sadd.s32 s0, s3;
	s0 =	sld [smem:$0x3FA6]  }
0x30: {  	s3 =	sld [smem:$0x3FA9]  }
0x31: {  	[smem:$0x3FB2] =	sst s10  }
0x32: {  	s10 =	sld [smem:$0x3FB0];
	_ =	sdelay $0x3  }
0x33: {  	p0 =	seq.s32 s10, $0x1;
	s10 =	sld [smem:$0x3FB2];
	_ =	sdelay $0x3  }
0x34: {  	[smem:$0x3FB2] =	sst s10  }
0x35: {  	s10 =	sld [smem:$0x3FB1];
	_ =	sdelay $0x3  }
0x36: {  	p1 =	seq.s32 s10, $0x1;
	s10 =	sld [smem:$0x3FB2];
	_ =	sdelay $0x3  }
0x37: {  	[smem:$0x3FB2] =	sst s10  }
0x38: {  	s10 =	sld [smem:$0x3FB3]  }
0x39: {  	_ = 	snop;
	(pc) =	sbr.ind lr, $3  }
0x3a: {  	_ = 	snop  }
0x3b: {  	_ = 	snop  }
0x3c: {  	p2 =	seq.s32 s10, $0x1;
	s10 =	sld [smem:$0x3FB2]  }
0x3d: {  	_ =	shalt  }
0x3e: {  	_ =	shalt  }
0x3f: {  	_ =	shalt  }
0x40: {  	_ =	shalt  }
0x41: {  	_ =	shalt  }
0x42: {  	_ =	shalt  }
0x43: {  	_ =	shalt  }
0x44: {  	_ =	shalt  }
0x45: {  	_ =	shalt  }
0x46: {  	_ =	shalt  }
0x47: {  	_ =	shalt  }
0x48: {  	_ =	shalt  }
0x49: {  	_ =	shalt  }
0x4a: {  	_ =	shalt  }
0x4b: {  	_ =	shalt  }
0x4c: {  	_ =	shalt  }
0x4d: {  	_ =	shalt  }
0x4e: {  	_ =	shalt  }
0x4f: {  	_ =	shalt  }
0x50: {  	_ =	shalt  }
0x51: {  	_ =	shalt  }
0x52: {  	_ =	shalt  }
0x53: {  	_ =	shalt  }
0x54: {  	_ =	shalt  }
0x55: {  	_ =	shalt  }
0x56: {  	_ =	shalt  }
0x57: {  	_ =	shalt  }
0x58: {  	_ =	shalt  }
0x59: {  	_ =	shalt  }
0x5a: {  	_ =	shalt  }
0x5b: {  	_ =	shalt  }
0x5c: {  	_ =	shalt  }
0x5d: {  	_ =	shalt  }
0x5e: {  	_ =	shalt  }
0x5f: {  	_ =	shalt  }
0x60: {  	_ =	shalt  }
0x61: {  	_ =	shalt  }
0x62: {  	_ =	shalt  }
0x63: {  	_ =	shalt  }
0x64: {  	_ =	shalt  }
0x65: {  	_ =	shalt  }
0x66: {  	_ =	shalt  }
0x67: {  	_ =	shalt  }
0x68: {  	_ =	shalt  }
0x69: {  	_ =	shalt  }
0x6a: {  	_ =	shalt  }
0x6b: {  	_ =	shalt  }
0x6c: {  	_ =	shalt  }
0x6d: {  	_ =	shalt  }
0x6e: {  	_ =	shalt  }
0x6f: {  	_ =	shalt  }
0x70: {  	_ =	shalt  }
0x71: {  	_ =	shalt  }
0x72: {  	_ =	shalt  }
0x73: {  	_ =	shalt  }
0x74: {  	_ =	shalt  }
0x75: {  	_ =	shalt  }
0x76: {  	_ =	shalt  }
0x77: {  	_ =	shalt  }
0x78: {  	_ =	shalt  }
0x79: {  	_ =	shalt  }
0x7a: {  	_ =	shalt  }
0x7b: {  	_ =	shalt  }
0x7c: {  	_ =	shalt  }
0x7d: {  	_ =	shalt  }
0x7e: {  	_ =	shalt  }
0x7f: {  	_ =	shalt  }
0x80: {  	_ =	shalt  }
0x81: {  	_ =	shalt  }
0x82: {  	_ =	shalt  }
0x83: {  	_ =	shalt  }
0x84: {  	_ =	shalt  }
0x85: {  	_ =	shalt  }
0x86: {  	_ =	shalt  }
0x87: {  	_ =	shalt  }
.Lfunc_end0:
.L_simem_size_0:
called_computation_lowered:
.L_overlay_start_0:
0x88: {  	s2 =	sld [smem:$0x3FD9]  }
0x89: {  	s3 =	sld [smem:$0x3FFE];
	_ =	sdelay $0x1  }
0x8a: {  	s1 =	srdreg.scid  }
0x8b: {  	s0 =	sand.u32 $0x1, s1  }
0x8c: {  	s17 =	sshll.u32 s0, $0xA;
	s2 =	sadd.s32 s3, s2  }
0x8d: {  	s2 =	sadd.s32 s2, s17  }
0x8e: {  	[smem:$0x3FBE] =	sst s2  }
0x8f: {  	_ = 	snop  }
0x90: {  	s2 =	sld [smem:$0x3FC9]  }
0x91: {  	s18 =	sld [smem:$0x3FD0];
	(tm) =	ssettm $0x1  }
0x92: {  	s4 =	sld [smem:$0x3FFB];
	_ =	sdelay $0x3  }
0x93: {  	_ =	strace s4  }
0x94: {  	s4 =	sld [smem:$0x3FFC];
	_ =	sdelay $0x3  }
0x95: {  	_ =	strace s4  }
0x96: {  	s4 =	sld [smem:$0x3FFD];
	_ =	sdelay $0x3  }
0x97: {  	_ =	strace s4  }
0x98: {  	_ =	strace $0x8FFFFFFF  }
0x99: {  	s19 =	sld [smem:$0x3FDB];
	_ =	sdelay $0x1  }
0x9a: {  	s5 =	simm.s32 $_scs_section_size  }
0x9b: {  	s6 =	simm.s32 $_size__tile_overlayer_lowered;
	s7 =	simm.s32 $_tile_overlayer_lowered  }
0x9c: {  	s22 =	simm.s32 $0x1BFF;
	s21 =	sshll.u32 s7, $0x1;
	s4 =	sadd.s32 s5, s19  }
0x9d: {  	s8 =	simm.s32 $0x0;
	s20 =	sshll.u32 s6, $0x1;
	s6 =	sadd.s32 s21, s4  }
0x9e: {  	[timem:s8], [sflag:s22] =	dma.local [hbm:s6], s20  }
0x9f: {  	_ =	swait.ge [sflag:s22], s20  }
0xa0: {  	s5 =	ssub.s32 $0x0, s20;
	[sflag:s22] =	ssyncset.done $0x0  }
0xa1: {  	[sflag:s22] =	ssyncadd.s32 s5;
	_ =	sdelay $0x1  }
0xa2: {  	s23 =	simm.s32 $0x1B8B  }
0xa3: {  	_ =	swait.ge [sflag:s23], $0x1  }
0xa4: {  	[sflag:s23] =	ssyncset.done $0x0  }
0xa5: {  	s25 =	simm.s32 $0x1B8E;
	s24 =	sld [smem:$0x3FFE];
	[sflag:s23] =	ssyncadd.s32 $0xFFFFFFFF  }
0xa6: {  	s26 =	simm.s32 $execute0_lowered;
	[smem:$0x3FD2] =	sst s25  }
0xa7: {  	s6 =	sshll.u32 s26, $0x1;
	_ =	strace $0x80000046;
	[dreg:$0x1] =	wrdreg $0xFFFFFFFF  }
0xa8: {  	s28 =	simm.s32 $_size_execute0_lowered;
	s4 =	sadd.s32 s4, s6;
	[dreg:$0x0] =	wrdreg $0x0  }
0xa9: {  	s6 =	sshll.u32 s28, $0x1;
	[dreg:$0x2] =	wrdreg s4  }
0xaa: {  	[dreg:$0x3] =	wrdreg s6  }
0xab: {  	[dreg:$0x4] =	wrdreg $0xC0  }
0xac: {  	_ =	task [dreg:s8], $0x5FFFF  }
0xad: {  	[dreg:$0x1] =	wrdreg $0xFFFFFFFF  }
0xae: {  	[dreg:$0x0] =	wrdreg $0x60  }
0xaf: {  	[dreg:$0x2] =	wrdreg s2  }
0xb0: {  	[dreg:$0x3] =	wrdreg s24  }
0xb1: {  	[dreg:$0x4] =	wrdreg s18  }
0xb2: {  	[dreg:$0x5] =	wrdreg $0x0  }
0xb3: {  	[dreg:$0x6] =	wrdreg $0x9  }
0xb4: {  	_ =	task.clear_ibuf [dreg:s8], $0x7FFFF;
	_ =	strace $0x90000046  }
0xb5: {  	s29 =	simm.s32 $0x9;
	_ =	strace $0x80000048  }
0xb6: {  	_ =	swait.ge [sflag:s29], $0x1  }
0xb7: {  	[sflag:s29] =	ssyncadd.s32 $0xFFFFFFFF  }
0xb8: {  	_ =	strace $0x90000048  }
0xb9: {  	_ =	sfence  }
0xba: {  	s30 =	sld [smem:$0x0];
	_ =	sdelay $0x2  }
0xbb: {  	s31 =	sshll.u32 s1, $0xD;
	s1 =	sshrl.u32 s1, $0x2  }
0xbc: {  	s3 =	sand.u32 $0x4000, s31;
	s1 =	sadd.s32 s1, s30  }
0xbd: {  	s0 =	sor.u32 s3, s0;
	s1 =	sshll.u32 s1, $0x11  }
0xbe: {  	s0 =	sor.u32 s1, s0  }
0xbf: {  	s0 =	sadd.s32 $0x8F2B, s0  }
0xc0: {  	[sflag:s0] =	ssyncadd.remote.s32 $0x1  }
0xc1: {  	_ =	sfence.sel $0xFFFF  }
0xc2: {  	[dreg:$0x0] =	wrdreg $0xFFFFFFFF;
	(pc) =	sbr.abs _section_cstart, $3  }
0xc3: {  	[dreg:$0x1] =	wrdreg $0xFFFFFFFF  }
0xc4: {  	_ =	task.clear_ibuf [dreg:s8], $0x2FFFF;
	_ =	strace $0x9FFFFFFF  }
0xc5: {  	(tm) =	ssettm $0x7FFFFFFF  }
tec
execute0_lowered:
.L_overlay_start_1:
0x0: {  	(tag) =	ssettag $0x1  }
0x1: {  	s1 =	rddreg [dreg:$0x0]  }
0x2: {  	s0 =	rddreg [dreg:$0x1]  }
0x3: {  	s4 =	rddreg [dreg:$0x3]  }
0x4: {  	s2 =	srdreg.scid;
	s10 =	stileid.u32;
	s5 =	simm.s32 $0x0  }
0x5: {  	s16 =	simm.s32 $0x4;
	s17 =	simm.s32 $0x14000;
	s19 =	simm.s32 $0x50  }
0x6: {  	s28 =	simm.s32 $0x3;
	s29 =	simm.s32 $0x0;
	s3 =	smul.u32 $0x14000, s10  }
0x7: {  	s2 =	sand.u32 $0x1, s2;
	[smem:$0x7FF] =	sst s5;
	s9 =	smul.u32 $0x2710, s10  }
0x8: {  	s13 =	sadd.s32 $0x1A00, s0;
	s25 =	sshll.u32 s10, $0x6;
	s6 =	smul.u32 $0x140000, s2  }
0x9: {  	_ =	strace $0x80000047;
	s7 =	sshll.u32 s2, $0x4;
	s8 =	ssub.s32 $0x2, s2  }
0xa: {  	s2 =	smul.u32 $0x27100, s2;
	s7 =	sor.u32 s10, s7;
	s23 =	sshrl.u32 s8, $0x1  }
0xb: {  	s6 =	sadd.s32 s3, s6;
	s7 =	smul.u32 $0x2710, s7;
	s12 =	ssub.s32 s8, s23  }
0xc: {  	s3 =	sadd.s32 s3, s4;
	s2 =	sadd.s32 s9, s2;
	s6 =	sshrl.u32 s6, $0x3  }
0xd: {  	s14 =	sadd.s32 $0x320, s2;
	s2 =	sadd.s32 $0x4E520, s2;
	s12 =	smax.u32 s12, $0x1  }
0xe: {  	s15 =	sshrl.u32 s3, $0x3;
	s0 =	sadd.s32 s6, s0;
	s24 =	sshrl.u32 s7, $0x3  }
.Ltmp0:
0xf: {  	s7 =	sor.u32 $0x1C04, s25;
	s31 =	sshrl.u32 s14, $0x3;
	(pc) =	sbr.rel .LBB2_1-.Ltmp0, $4  }
0x10: {  	s2 =	sshrl.u32 s2, $0x3;
	s25 =	simm.s32 $0x1;
	s6 =	sadd.s32 s13, s24  }
0x11: {  	s11 =	sadd.s32 $0x15400, s0;
	s0 =	sadd.s32 s31, s13;
	s26 =	sadd.s32 $0x9C40, s6  }
0x12: {  	s14 =	sadd.s32 s2, s13;
	s30 =	sadd.s32 $0x32, s6;
	[dreg:$0x5] =	wrdreg s26  }
0x13: {  	s10 =	sadd.s32 $0x9C72, s6;
	[dreg:$0x6] =	wrdreg s30;
	s26 =	simm.s32 $0x2  }
.LBB2_6:
0x14: {  	s2 =	sadd.s32 $0x145A0, s18  }
0x15: {  	[spmem:s4] =	stream.indirect.scatter.add.f32 [tilespmem:s23], [sflag:$0x2], $0x80, s2, s19, $0xb8;
	[tilespmem:$0x1E960] =	vst v63  }
0x16: {  	_ =	swait.ge [sflag:s25], $0x2800  }
0x17: {  	[sflag:s25] =	ssyncset.done $0x0  }
0x18: {  	[sflag:s25] =	ssyncadd.s32 $0xFFFFD800  }
0x19: {  	_ =	swait.ge [sflag:s26], $0x2800  }
0x1a: {  	[sflag:s26] =	ssyncset.done $0x0  }
0x1b: {  	s31 =	sadd.s32 $0x145F0, s18;
	[sflag:s26] =	ssyncadd.s32 $0xFFFFD800  }
0x1c: {  	[spmem:s4] =	stream.indirect.scatter.add.f32 [tilespmem:s3], [sflag:$0x2], $0x80, s31, s19, $0xb8;
	[tilespmem:$0x1E960] =	vst v63  }
.LBB2_4:
0x1d: {  	_ =	swait.ge [sflag:s26], $0x2800  }
0x1e: {  	[sflag:s26] =	ssyncset.done $0x0  }
0x1f: {  	[sflag:s26] =	ssyncadd.s32 $0xFFFFD800  }
0x20: {  	_ =	swait.ge [sflag:s26], $0x2800  }
0x21: {  	s29 =	sadd.s32 $0x1, s29;
	[sflag:s26] =	ssyncset.done $0x0  }
0x22: {  	p0 =	sne.s32 s29, s12;
	[sflag:s26] =	ssyncadd.s32 $0xFFFFD800  }
.Ltmp1:
0x23: {  	[bflag:$0x0] =	sbarrier.arrive $0xFFFF;
	(pc) =	sbr.rel @!p0 .LBB2_5-.Ltmp1, $4  }
0x24: {  	[hbm:s11], [sflag:s7] =	dma.local [spmem:s15], $0x2800  }
0x25: {  	_ =	swait.ge [sflag:s16], $0x2800  }
0x26: {  	[sflag:s16] =	ssyncset.done $0x0  }
0x27: {  	[sflag:s16] =	ssyncadd.s32 $0xFFFFD800  }
.LBB2_1:
0x28: {  	s2 =	rddreg [dreg:$0x2]  }
0x29: {  	[spmem:s15], [sflag:s7] =	dma.local [hbm:s2], $0x2800  }
0x2a: {  	_ =	swait.ge [sflag:s16], $0x2800  }
0x2b: {  	[sflag:s16] =	ssyncset.done $0x0  }
0x2c: {  	[sflag:s16] =	ssyncadd.s32 $0xFFFFD800  }
0x2d: {  	[tilespmem:s17], [sflag:$0x4] =	stream.linear.gather [hbm4b:s6+s5], $0x190, $0x38;
	[tilespmem:$0x1E960] =	vst v63  }
0x2e: {  	_ =	swait.ge [sflag:s16], $0x190  }
0x2f: {  	[sflag:s16] =	ssyncset.done $0x0  }
0x30: {  	s3 =	simm.s32 $0x144B0;
	s13 =	rddreg [dreg:$0x5];
	[sflag:s16] =	ssyncadd.s32 $0xFFFFFE70  }
0x31: {  	[tilespmem:s3], [sflag:$0x4] =	stream.linear.gather [hbm4b:s13+s5], $0x190, $0x38;
	[tilespmem:$0x1E960] =	vst v63  }
0x32: {  	_ =	swait.ge [sflag:s16], $0x190  }
0x33: {  	[sflag:s16] =	ssyncset.done $0x0  }
0x34: {  	[sflag:s16] =	ssyncadd.s32 $0xFFFFFE70  }
0x35: {  	s18 =	simm.s32 $0x14960;
	[bflag:$0x0] =	sbarrier.arrive $0xFFFF  }
0x36: {  	[tilespmem:s18], [sflag:$0x1] =	stream.indirect.gather [hbm4b:s1+s19], $0x80, s17, s19, $0xb8;
	[tilespmem:$0x1E960] =	vst v63  }
0x37: {  	s20 =	simm.s32 $0x14050;
	s21 =	simm.s32 $0x17160;
	s23 =	simm.s32 $0x14190  }
0x38: {  	[tilespmem:s21], [sflag:$0x1] =	stream.indirect.gather [hbm4b:s1+s19], $0x80, s20, s19, $0xb8;
	[tilespmem:$0x1E960] =	vst v63  }
0x39: {  	s24 =	simm.s32 $0x14640;
	s30 =	simm.s32 $0x0;
	s22 =	rddreg [dreg:$0x6]  }
0x3a: {  	[tilespmem:s23], [sflag:$0x3] =	stream.linear.gather [hbm4b:s22+s5], $0x190, $0x38;
	[tilespmem:$0x1E960] =	vst v63  }
0x3b: {  	s31 =	smov.u32 s14;
	s2 =	simm.s32 $0x2;
	s13 =	smov.u32 s0  }
0x3c: {  	[tilespmem:s24], [sflag:$0x3] =	stream.linear.gather [hbm4b:s10+s5], $0x190, $0x38;
	[tilespmem:$0x1E960] =	vst v63  }
.LBB2_2:
0x3d: {  	s21 =	smul.u32 $0xAB, s2;
	_ =	sdelay $0x1  }
0x3e: {  	s3 =	sadd.s32 $0xFFFFFEAA, s21  }
0x3f: {  	s3 =	sshrl.u32 s3, $0x9  }
0x40: {  	s22 =	sadd.s32 $0xFFFFFFFE, s2;
	s3 =	sand.u32 $0x7F, s3  }
0x41: {  	s18 =	sand.u32 $0x3, s30;
	_ =	swait.ge [sflag:s25], $0x2800;
	s3 =	smul.u32 $0x3, s3  }
0x42: {  	p0 =	seq.s32 s2, $0x2;
	s20 =	smul.u32 $0xA000, s18;
	[sflag:s25] =	ssyncset.done $0x0  }
0x43: {  	s18 =	sxor.u32 $0x2, s18;
	s23 =	simm.s32 @!p0 $0x2;
	s3 =	ssub.s32 s22, s3  }
0x44: {  	[sflag:s25] =	ssyncadd.s32 $0xFFFFD800;
	s18 =	smul.u32 $0xA000, s18;
	s3 =	sand.u32 $0xFF, s3  }
0x45: {  	_ =	swait.ge @!p0 [sflag:s23], $0x2800;
	s24 =	smul.u32 $0x640, s3  }
0x46: {  	s8 =	sshrl.u32 s20, $0x2;
	[sflag:s23] =	ssyncset.done @!p0 $0x0  }
0x47: {  	s18 =	sshrl.u32 s18, $0x2;
	[sflag:s23] =	ssyncadd.s32 @!p0 $0xFFFFD800;
	s24 =	sshrl.u32 s24, $0x2  }
0x48: {  	s20 =	sadd.s32 $0x14960, s18;
	s18 =	smul.u32 $0x190, s3;
	s24 =	sadd.s32 $0x140A0, s24  }
0x49: {  	[tilespmem:s20], [sflag:$0x1] =	stream.indirect.gather [hbm4b:s1+s19], $0x80, s24, s19, $0xb8;
	[tilespmem:$0x1E960] =	vst v63  }
0x4a: {  	s3 =	sadd.s32 $0x14960, s8;
	s9 =	sadd.s32 $0x144B0, s18  }
0x4b: {  	[spmem:s4] =	stream.indirect.scatter.add.f32 [tilespmem:s3], [sflag:$0x2], $0x80, s9, s19, $0xb8;
	[tilespmem:$0x1E960] =	vst v63  }
0x4c: {  	s24 =	sadd.s32 $0x1, s30;
	s9 =	sadd.s32 $0xFFFFFFFF, s30;
	_ =	swait.ge [sflag:s25], $0x2800  }
0x4d: {  	s8 =	sand.u32 $0x3, s24;
	s24 =	sand.u32 $0x3, s9;
	[sflag:s25] =	ssyncset.done $0x0  }
0x4e: {  	s24 =	smul.u32 $0xA000, s24;
	[sflag:s25] =	ssyncadd.s32 $0xFFFFD800  }
0x4f: {  	s8 =	smul.u32 $0xA000, s8;
	_ =	swait.ge @!p0 [sflag:s23], $0x2800  }
0x50: {  	s9 =	sadd.s32 $0x140F0, s18;
	s24 =	sshrl.u32 s24, $0x2;
	[sflag:s23] =	ssyncset.done @!p0 $0x0  }
0x51: {  	s8 =	sshrl.u32 s8, $0x2;
	[sflag:s23] =	ssyncadd.s32 @!p0 $0xFFFFD800;
	s23 =	sadd.s32 $0x14960, s24  }
0x52: {  	[tilespmem:s23], [sflag:$0x1] =	stream.indirect.gather [hbm4b:s1+s19], $0x80, s9, s19, $0xb8;
	[tilespmem:$0x1E960] =	vst v63  }
0x53: {  	s24 =	sadd.s32 $0x14960, s8;
	s9 =	sadd.s32 $0x14500, s18  }
0x54: {  	[spmem:s4] =	stream.indirect.scatter.add.f32 [tilespmem:s24], [sflag:$0x2], $0x80, s9, s19, $0xb8;
	[tilespmem:$0x1E960] =	vst v63  }
0x55: {  	_ =	swait.ge [sflag:s25], $0x2800  }
0x56: {  	[sflag:s25] =	ssyncset.done $0x0  }
0x57: {  	[sflag:s25] =	ssyncadd.s32 $0xFFFFD800  }
0x58: {  	_ =	swait.ge [sflag:s26], $0x2800  }
0x59: {  	[sflag:s26] =	ssyncset.done $0x0  }
0x5a: {  	s9 =	sadd.s32 $0x14140, s18;
	[sflag:s26] =	ssyncadd.s32 $0xFFFFD800  }
0x5b: {  	[tilespmem:s3], [sflag:$0x1] =	stream.indirect.gather [hbm4b:s1+s19], $0x80, s9, s19, $0xb8;
	[tilespmem:$0x1E960] =	vst v63  }
0x5c: {  	s9 =	sadd.s32 $0x14550, s18  }
0x5d: {  	[spmem:s4] =	stream.indirect.scatter.add.f32 [tilespmem:s20], [sflag:$0x2], $0x80, s9, s19, $0xb8;
	[tilespmem:$0x1E960] =	vst v63  }
0x5e: {  	p0 =	seq.s32 s2, $0x1A;
	_ =	swait.ge [sflag:s25], $0x2800  }
.Ltmp2:
0x5f: {  	[sflag:s25] =	ssyncset.done $0x0;
	(pc) =	sbr.rel @p0 .LBB2_6-.Ltmp2, $4  }
0x60: {  	[sflag:s25] =	ssyncadd.s32 $0xFFFFD800  }
0x61: {  	_ =	swait.ge [sflag:s26], $0x2800  }
0x62: {  	[sflag:s26] =	ssyncset.done $0x0  }
0x63: {  	[sflag:s26] =	ssyncadd.s32 $0xFFFFD800  }
0x64: {  	p0 =	sgt.u32 s22, $0x16  }
0x65: {  	s8 =	smul.u32 @!p0 $0xAB, s2;
	_ =	sdelay $0x1  }
0x66: {  	s8 =	sshrl.u32 @!p0 s8, $0x9  }
0x67: {  	s8 =	sand.u32 @!p0 $0x7F, s8  }
0x68: {  	s8 =	smul.u32 @!p0 $0x3, s8  }
0x69: {  	_ =	swait.ge [sflag:s28], $0x190  }
0x6a: {  	[sflag:s28] =	ssyncset.done $0x0;
	s8 =	ssub.s32 @!p0 s2, s8  }
0x6b: {  	s21 =	sadd.s32 $0xFFFFFF55, s21;
	[sflag:s28] =	ssyncadd.s32 $0xFFFFFE70;
	s8 =	sand.u32 @!p0 $0xFF, s8  }
0x6c: {  	s21 =	sshrl.u32 s21, $0x9;
	_ =	swait.ge [sflag:s28], $0x190;
	s8 =	smul.u32 @!p0 $0x190, s8  }
0x6d: {  	s9 =	simm.s32 @!p0 $0x0;
	s21 =	sand.u32 $0x7F, s21;
	[sflag:s28] =	ssyncset.done $0x0  }
0x6e: {  	s21 =	smul.u32 $0x3, s21;
	[sflag:s28] =	ssyncadd.s32 $0xFFFFFE70;
	s22 =	sor.u32 @!p0 $0x14000, s8  }
0x6f: {  	[tilespmem:s22], [sflag:$0x3] =	stream.linear.gather @!p0 [hbm4b:s13+s9], $0x190, $0x38;
	[tilespmem:$0x1E960] =	vst v63  }
0x70: {  	s21 =	sxor.u32 $0xFFFFFFFF, s21;
	s8 =	sadd.s32 @!p0 $0x144B0, s8  }
0x71: {  	[tilespmem:s8], [sflag:$0x3] =	stream.linear.gather @!p0 [hbm4b:s31+s9], $0x190, $0x38;
	[tilespmem:$0x1E960] =	vst v63  }
0x72: {  	s9 =	sadd.s32 s2, s21  }
0x73: {  	s21 =	sand.u32 $0xFF, s9  }
0x74: {  	s8 =	smul.u32 $0x640, s21;
	_ =	sdelay $0x1  }
0x75: {  	s8 =	sshrl.u32 s8, $0x2  }
0x76: {  	s21 =	sadd.s32 $0x14000, s8  }
0x77: {  	[tilespmem:s24], [sflag:$0x1] =	stream.indirect.gather [hbm4b:s1+s19], $0x80, s21, s19, $0xb8;
	[tilespmem:$0x1E960] =	vst v63  }
0x78: {  	s22 =	sadd.s32 $0x145A0, s18  }
0x79: {  	[spmem:s4] =	stream.indirect.scatter.add.f32 [tilespmem:s23], [sflag:$0x2], $0x80, s22, s19, $0xb8;
	[tilespmem:$0x1E960] =	vst v63  }
0x7a: {  	_ =	swait.ge [sflag:s25], $0x2800  }
0x7b: {  	[sflag:s25] =	ssyncset.done $0x0  }
0x7c: {  	s2 =	sadd.s32 $0x1, s2;
	[sflag:s25] =	ssyncadd.s32 $0xFFFFD800  }
0x7d: {  	p0 =	sne.s32 s2, $0x1B;
	_ =	swait.ge [sflag:s26], $0x2800  }
.Ltmp3:
0x7e: {  	s30 =	sadd.s32 $0x5, s30;
	[sflag:s26] =	ssyncset.done $0x0;
	(pc) =	sbr.rel @p0 .LBB2_2-.Ltmp3, $4  }
.Ltmp4:
0x7f: {  	s8 =	sadd.s32 $0x14050, s8;
	[sflag:s26] =	ssyncadd.s32 $0xFFFFD800;
	(pc) =	sbr.rel @!p0 .LBB2_4-.Ltmp4, $4  }
0x80: {  	[tilespmem:s20], [sflag:$0x1] =	stream.indirect.gather [hbm4b:s1+s19], $0x80, s8, s19, $0xb8;
	[tilespmem:$0x1E960] =	vst v63  }
0x81: {  	s13 =	sadd.s32 $0x32, s13;
	s31 =	sadd.s32 $0x32, s31;
	s24 =	sadd.s32 $0x145F0, s18  }
0x82: {  	[spmem:s4] =	stream.indirect.scatter.add.f32 [tilespmem:s3], [sflag:$0x2], $0x80, s24, s19, $0xb8;
	[tilespmem:$0x1E960] =	vst v63  }
0x83: {  	_ = 	snop  }
.LBB2_5:
0x84: {  	_ =	sfence.sel $0x180000  }
0x85: {  	[bflag:$0x0] =	sbarrier.arrive $0xFFFF  }
0x86: {  	_ =	strace $0x90000047  }
0x87: {  	s0 =	stileid.u32;
	[bflag:$0x2] =	sbarrier.arrive $0xFFFF  }
0x88: {  	p0 =	sne.s32 s0, $0x0;
	s0 =	rddreg [dreg:$0x4]  }
0x89: {  	s0 =	sadd.s32 @!p0 $0x100000, s0  }
0x8a: {  	[sflag:s0] =	ssyncadd.tile.s32 @!p0 $0x1;
	_ =	shalt  }
.Lfunc_end2:
_tile_overlayer_lowered:
.L_overlay_start_2:
0x8b: {  	(tag) =	ssettag $0x2  }
0x8c: {  	s0 =	rddreg [dreg:$0x0];
	s2 =	stileid.u32  }
0x8d: {  	s1 =	rddreg [dreg:$0x1];
	p0 =	sne.s32 s2, $0x0  }
0x8e: {  	s3 =	rddreg [dreg:$0x2];
	[bflag:$0x3] =	sbarrier.arrive $0xFFFF;
	s2 =	simm.s32 @!p0 $0x1C04  }
0x8f: {  	[timem:s3], [sflag:s2] =	dma.local @!p0 [hbm:s0], s1  }
0x90: {  	s0 =	simm.s32 @!p0 $0x4  }
0x91: {  	_ =	swait.ge @!p0 [sflag:s0], s1  }
0x92: {  	s1 =	ssub.s32 @!p0 $0x0, s1;
	[sflag:s0] =	ssyncset.done @!p0 $0x0  }
0x93: {  	[sflag:s0] =	ssyncadd.s32 @!p0 s1  }
0x94: {  	[bflag:$0x3] =	sbarrier.arrive $0xFFFF  }
0x95: {  	_ =	shalt  }

// kernel: kernel.9.cloned.1.call-start
scs
__scs_entry_jumppad:
0x0: {  	(pc) =	sbr.rel $0x88, $3  }
0x1: {  	(tag) =	ssettag $0x0;
	lr =	simm.s32 $0x1  }
0x2: {  	[smem:$0x3F97] =	sst lr;
	_ =	strace $0xD0000000  }
0x3: {  	_ = 	snop  }
0x4: {  	_ = 	snop  }
0x5: {  	_ = 	snop  }
0x6: {  	_ = 	snop  }
0x7: {  	_ = 	snop  }
__scs_overlays_trampoline_lowered:
0x8: {  	[smem:$0x3FA6] =	sst s0  }
0x9: {  	[smem:$0x3FA7] =	sst s1  }
0xa: {  	[smem:$0x3FA8] =	sst s2  }
0xb: {  	[smem:$0x3FA9] =	sst s3  }
0xc: {  	[smem:$0x3FAA] =	sst s4  }
0xd: {  	[smem:$0x3FAB] =	sst s5  }
0xe: {  	[smem:$0x3FAC] =	sst s6  }
0xf: {  	[smem:$0x3FAD] =	sst s7  }
0x10: {  	[smem:$0x3FAE] =	sst s8  }
0x11: {  	[smem:$0x3FAF] =	sst s9;
	s0 =	simm.s32 @!p0 $0x0  }
0x12: {  	s1 =	sld [smem:$0x3F95];
	s0 =	simm.s32 @p0 $0x1  }
0x13: {  	[smem:$0x3FB0] =	sst s0;
	s0 =	simm.s32 @!p1 $0x0  }
0x14: {  	s2 =	sld [smem:$0x3F94];
	s0 =	simm.s32 @p1 $0x1  }
0x15: {  	[smem:$0x3FB1] =	sst s0;
	s0 =	simm.s32 @!p2 $0x0  }
0x16: {  	s3 =	sld [smem:$0x3FDB];
	s0 =	simm.s32 @p2 $0x1  }
0x17: {  	s4 =	simm.s32 $0x1BF5;
	[smem:$0x3FB3] =	sst s0  }
0x18: {  	s0 =	sld [smem:$0x3F96];
	_ =	swait.ge [sflag:s4], $0x0  }
0x19: {  	s7 =	sld [smem:$0x3F97]  }
0x1a: {  	s8 =	sadd.s32 $0xFFFFE003, lr  }
0x1b: {  	s9 =	sadd.s32 $0xFFFFFEF7, lr;
	s5 =	simm.s32 $0xFFFFFFFF;
	p2 =	slt.u32 s8, $0xFFFFF086  }
0x1c: {  	p1 =	slt.u32 s9, $0xF7A;
	s5 =	simm.s32 @!p2 $0x0  }
0x1d: {  	s5 =	simm.s32 @p1 $0x1;
	p0 =	seq.s32 s7, s2  }
0x1e: {  	s7 =	smul.u32 @!p0 $0xF7A, s2;
	p2 =	seq.s32 @!p0 s5, $0x0  }
0x1f: {  	s9 =	smul.u32 $0xF7A, s1;
	s8 =	simm.s32 @!p0 $0x1BF5;
	p2 =	por !p2, p0  }
0x20: {  	[sflag:s8] =	ssyncset.s32 @!p0 $0xFFFFF086;
	s6 =	sadd.s32 @!p0 s3, s7;
	s7 =	simm.s32 @!p0 $0x108  }
0x21: {  	s3 =	sadd.s32 s3, s9;
	s6 =	sadd.s32 @!p0 $0x88, s6;
	s7 =	simm.s32 @p2 $0x1082  }
0x22: {  	[simem:s7], [sflag:s8] =	dma.local @!p0 [hbm:s6], $0xF7A  }
0x23: {  	s9 =	sor.u32 $0xD0000000, s2;
	s6 =	simm.s32 $0x108;
	_ =	swait.ge @!p0 [sflag:s8], $0x0  }
0x24: {  	s3 =	sadd.s32 $0x88, s3;
	s6 =	simm.s32 @!p1 $0x1082;
	[sflag:s4] =	ssyncset.s32 $0xFFFFF086  }
0x25: {  	[simem:s6], [sflag:s4] =	dma.local [hbm:s3], $0xF7A  }
0x26: {  	[smem:$0x3F97] =	sst s1;
	(tag) =	ssettag s2;
	_ =	strace s9  }
0x27: {  	s1 =	sld [smem:$0x3FA7]  }
0x28: {  	s2 =	sld [smem:$0x3FA8]  }
0x29: {  	s4 =	sld [smem:$0x3FAA]  }
0x2a: {  	p0 =	seq.s32 s5, $0x0;
	s5 =	sld [smem:$0x3FAB]  }
0x2b: {  	s6 =	sld [smem:$0x3FAC]  }
0x2c: {  	s7 =	sld [smem:$0x3FAD]  }
0x2d: {  	s3 =	simm.s32 $0x108;
	s8 =	sld [smem:$0x3FAE]  }
0x2e: {  	s3 =	simm.s32 @!p0 $0x1082;
	s9 =	sld [smem:$0x3FAF]  }
0x2f: {  	lr =	sadd.s32 s0, s3;
	s0 =	sld [smem:$0x3FA6]  }
0x30: {  	s3 =	sld [smem:$0x3FA9]  }
0x31: {  	[smem:$0x3FB2] =	sst s10  }
0x32: {  	s10 =	sld [smem:$0x3FB0];
	_ =	sdelay $0x3  }
0x33: {  	p0 =	seq.s32 s10, $0x1;
	s10 =	sld [smem:$0x3FB2];
	_ =	sdelay $0x3  }
0x34: {  	[smem:$0x3FB2] =	sst s10  }
0x35: {  	s10 =	sld [smem:$0x3FB1];
	_ =	sdelay $0x3  }
0x36: {  	p1 =	seq.s32 s10, $0x1;
	s10 =	sld [smem:$0x3FB2];
	_ =	sdelay $0x3  }
0x37: {  	[smem:$0x3FB2] =	sst s10  }
0x38: {  	s10 =	sld [smem:$0x3FB3]  }
0x39: {  	_ = 	snop;
	(pc) =	sbr.ind lr, $3  }
0x3a: {  	_ = 	snop  }
0x3b: {  	_ = 	snop  }
0x3c: {  	p2 =	seq.s32 s10, $0x1;
	s10 =	sld [smem:$0x3FB2]  }
0x3d: {  	_ =	shalt  }
0x3e: {  	_ =	shalt  }
0x3f: {  	_ =	shalt  }
0x40: {  	_ =	shalt  }
0x41: {  	_ =	shalt  }
0x42: {  	_ =	shalt  }
0x43: {  	_ =	shalt  }
0x44: {  	_ =	shalt  }
0x45: {  	_ =	shalt  }
0x46: {  	_ =	shalt  }
0x47: {  	_ =	shalt  }
0x48: {  	_ =	shalt  }
0x49: {  	_ =	shalt  }
0x4a: {  	_ =	shalt  }
0x4b: {  	_ =	shalt  }
0x4c: {  	_ =	shalt  }
0x4d: {  	_ =	shalt  }
0x4e: {  	_ =	shalt  }
0x4f: {  	_ =	shalt  }
0x50: {  	_ =	shalt  }
0x51: {  	_ =	shalt  }
0x52: {  	_ =	shalt  }
0x53: {  	_ =	shalt  }
0x54: {  	_ =	shalt  }
0x55: {  	_ =	shalt  }
0x56: {  	_ =	shalt  }
0x57: {  	_ =	shalt  }
0x58: {  	_ =	shalt  }
0x59: {  	_ =	shalt  }
0x5a: {  	_ =	shalt  }
0x5b: {  	_ =	shalt  }
0x5c: {  	_ =	shalt  }
0x5d: {  	_ =	shalt  }
0x5e: {  	_ =	shalt  }
0x5f: {  	_ =	shalt  }
0x60: {  	_ =	shalt  }
0x61: {  	_ =	shalt  }
0x62: {  	_ =	shalt  }
0x63: {  	_ =	shalt  }
0x64: {  	_ =	shalt  }
0x65: {  	_ =	shalt  }
0x66: {  	_ =	shalt  }
0x67: {  	_ =	shalt  }
0x68: {  	_ =	shalt  }
0x69: {  	_ =	shalt  }
0x6a: {  	_ =	shalt  }
0x6b: {  	_ =	shalt  }
0x6c: {  	_ =	shalt  }
0x6d: {  	_ =	shalt  }
0x6e: {  	_ =	shalt  }
0x6f: {  	_ =	shalt  }
0x70: {  	_ =	shalt  }
0x71: {  	_ =	shalt  }
0x72: {  	_ =	shalt  }
0x73: {  	_ =	shalt  }
0x74: {  	_ =	shalt  }
0x75: {  	_ =	shalt  }
0x76: {  	_ =	shalt  }
0x77: {  	_ =	shalt  }
0x78: {  	_ =	shalt  }
0x79: {  	_ =	shalt  }
0x7a: {  	_ =	shalt  }
0x7b: {  	_ =	shalt  }
0x7c: {  	_ =	shalt  }
0x7d: {  	_ =	shalt  }
0x7e: {  	_ =	shalt  }
0x7f: {  	_ =	shalt  }
0x80: {  	_ =	shalt  }
0x81: {  	_ =	shalt  }
0x82: {  	_ =	shalt  }
0x83: {  	_ =	shalt  }
0x84: {  	_ =	shalt  }
0x85: {  	_ =	shalt  }
0x86: {  	_ =	shalt  }
0x87: {  	_ =	shalt  }
.Lfunc_end0:
.L_simem_size_0:
called_computation.1_lowered:
.L_overlay_start_0:
0x88: {  	s2 =	sld [smem:$0x3FD9]  }
0x89: {  	s3 =	sld [smem:$0x3FFE];
	_ =	sdelay $0x1  }
0x8a: {  	s1 =	srdreg.scid  }
0x8b: {  	s0 =	sand.u32 $0x1, s1  }
0x8c: {  	s17 =	sshll.u32 s0, $0xA;
	s2 =	sadd.s32 s3, s2  }
0x8d: {  	s2 =	sadd.s32 s2, s17  }
0x8e: {  	[smem:$0x3FBE] =	sst s2  }
0x8f: {  	_ = 	snop  }
0x90: {  	s2 =	sld [smem:$0x3FD0];
	(tm) =	ssettm $0x1  }
0x91: {  	s18 =	sld [smem:$0x3FFB];
	_ =	sdelay $0x3  }
0x92: {  	_ =	strace s18  }
0x93: {  	s3 =	sld [smem:$0x3FFC];
	_ =	sdelay $0x3  }
0x94: {  	_ =	strace s3  }
0x95: {  	s3 =	sld [smem:$0x3FFD];
	_ =	sdelay $0x3  }
0x96: {  	_ =	strace s3  }
0x97: {  	_ =	strace $0x8FFFFFFF  }
0x98: {  	s19 =	sld [smem:$0x3FDB];
	_ =	sdelay $0x1  }
0x99: {  	s4 =	simm.s32 $_scs_section_size  }
0x9a: {  	s5 =	simm.s32 $_size__tile_overlayer_lowered;
	s6 =	simm.s32 $_tile_overlayer_lowered  }
0x9b: {  	s22 =	simm.s32 $0x1BFF;
	s21 =	sshll.u32 s6, $0x1;
	s3 =	sadd.s32 s4, s19  }
0x9c: {  	s7 =	simm.s32 $0x0;
	s20 =	sshll.u32 s5, $0x1;
	s5 =	sadd.s32 s21, s3  }
0x9d: {  	[timem:s7], [sflag:s22] =	dma.local [hbm:s5], s20  }
0x9e: {  	_ =	swait.ge [sflag:s22], s20  }
0x9f: {  	s4 =	ssub.s32 $0x0, s20;
	[sflag:s22] =	ssyncset.done $0x0  }
0xa0: {  	[sflag:s22] =	ssyncadd.s32 s4;
	_ =	sdelay $0x1  }
0xa1: {  	s23 =	simm.s32 $0x1B8B  }
0xa2: {  	_ =	swait.ge [sflag:s23], $0x1  }
0xa3: {  	[sflag:s23] =	ssyncset.done $0x0  }
0xa4: {  	s25 =	simm.s32 $0x1B8E;
	s24 =	sld [smem:$0x3FFE];
	[sflag:s23] =	ssyncadd.s32 $0xFFFFFFFF  }
0xa5: {  	s26 =	simm.s32 $execute0_lowered;
	[smem:$0x3FD2] =	sst s25  }
0xa6: {  	s5 =	sshll.u32 s26, $0x1;
	_ =	strace $0x80000049;
	[dreg:$0x1] =	wrdreg $0xFFFFFFFF  }
0xa7: {  	s28 =	simm.s32 $_size_execute0_lowered;
	s3 =	sadd.s32 s3, s5;
	[dreg:$0x0] =	wrdreg $0x0  }
0xa8: {  	s5 =	sshll.u32 s28, $0x1;
	[dreg:$0x2] =	wrdreg s3  }
0xa9: {  	[dreg:$0x3] =	wrdreg s5  }
0xaa: {  	[dreg:$0x4] =	wrdreg $0xC0  }
0xab: {  	_ =	task [dreg:s7], $0x5FFFF  }
0xac: {  	[dreg:$0x1] =	wrdreg $0xFFFFFFFF  }
0xad: {  	[dreg:$0x0] =	wrdreg $0x60  }
0xae: {  	[dreg:$0x2] =	wrdreg s24  }
0xaf: {  	[dreg:$0x3] =	wrdreg s2  }
0xb0: {  	[dreg:$0x4] =	wrdreg $0x0  }
0xb1: {  	[dreg:$0x5] =	wrdreg $0x9  }
0xb2: {  	_ =	task.clear_ibuf [dreg:s7], $0x6FFFF;
	_ =	strace $0x90000049  }
0xb3: {  	s29 =	simm.s32 $0x9;
	_ =	strace $0x8000004B  }
0xb4: {  	_ =	swait.ge [sflag:s29], $0x1  }
0xb5: {  	[sflag:s29] =	ssyncadd.s32 $0xFFFFFFFF  }
0xb6: {  	_ =	strace $0x9000004B  }
0xb7: {  	_ =	sfence  }
0xb8: {  	s30 =	sld [smem:$0x0];
	_ =	sdelay $0x2  }
0xb9: {  	s31 =	sshll.u32 s1, $0xD;
	s1 =	sshrl.u32 s1, $0x2  }
0xba: {  	s3 =	sand.u32 $0x4000, s31;
	s1 =	sadd.s32 s1, s30  }
0xbb: {  	s0 =	sor.u32 s3, s0;
	s1 =	sshll.u32 s1, $0x11  }
0xbc: {  	s0 =	sor.u32 s1, s0  }
0xbd: {  	s0 =	sadd.s32 $0x8F2B, s0  }
0xbe: {  	[sflag:s0] =	ssyncadd.remote.s32 $0x1  }
0xbf: {  	_ =	sfence.sel $0xFFFF  }
0xc0: {  	[dreg:$0x0] =	wrdreg $0xFFFFFFFF;
	(pc) =	sbr.abs _section_cstart, $3  }
0xc1: {  	[dreg:$0x1] =	wrdreg $0xFFFFFFFF  }
0xc2: {  	_ =	task.clear_ibuf [dreg:s7], $0x2FFFF;
	_ =	strace $0x9FFFFFFF  }
0xc3: {  	(tm) =	ssettm $0x7FFFFFFF  }
tec
execute0_lowered:
.L_overlay_start_1:
0x0: {  	(tag) =	ssettag $0x1  }
0x1: {  	s0 =	rddreg [dreg:$0x0]  }
0x2: {  	s1 =	srdreg.scid;
	s3 =	rddreg [dreg:$0x2]  }
0x3: {  	s8 =	stileid.u32;
	s4 =	simm.s32 $0x0;
	s12 =	simm.s32 $0x3  }
0x4: {  	s13 =	simm.s32 $0x6400;
	s14 =	simm.s32 $0x8B10;
	s15 =	simm.s32 $0x50  }
0x5: {  	s16 =	simm.s32 $0xB220;
	s18 =	simm.s32 $0xBEA0;
	s20 =	simm.s32 $0xCB20  }
0x6: {  	s25 =	simm.s32 $0x1;
	s30 =	simm.s32 $0xFD20;
	s31 =	simm.s32 $0x8B60  }
0x7: {  	s17 =	simm.s32 $0x2;
	s19 =	simm.s32 $0x0;
	s1 =	sand.u32 $0x1, s1  }
0x8: {  	s6 =	smul.u32 $0x6400, s8;
	[smem:$0x7FF] =	sst s4;
	s5 =	sadd.s32 $0x15400, s0  }
0x9: {  	s29 =	sshll.u32 s8, $0x6;
	s2 =	sshll.u32 s1, $0x4;
	s7 =	smul.u32 $0x64000, s1  }
0xa: {  	_ =	strace $0x8000004A;
	s1 =	ssub.s32 $0x2, s1;
	s2 =	sor.u32 s8, s2  }
0xb: {  	s28 =	sshrl.u32 s1, $0x1;
	s11 =	sadd.s32 s6, s3;
	s2 =	smul.u32 $0x2710, s2  }
0xc: {  	s7 =	sadd.s32 s6, s7;
	s1 =	ssub.s32 s1, s28;
	s6 =	sor.u32 $0x1C03, s29  }
0xd: {  	s11 =	sshrl.u32 s11, $0x3;
	s7 =	sshrl.u32 s7, $0x3;
	s2 =	sshrl.u32 s2, $0x3  }
0xe: {  	s10 =	smax.u32 s1, $0x1;
	s1 =	simm.s32 $0x109A0;
	s2 =	sadd.s32 s2, s0  }
0xf: {  	s0 =	sadd.s32 s7, s0;
	s7 =	sadd.s32 $0x1A00, s2;
	s8 =	sadd.s32 $0xB640, s2  }
0x10: {  	s9 =	sadd.s32 $0x21C00, s0;
	s0 =	simm.s32 $0x6630;
	s2 =	simm.s32 $0x8BB0  }
.LBB2_1:
0x11: {  	s21 =	rddreg [dreg:$0x1]  }
0x12: {  	[spmem:s11], [sflag:s6] =	dma.local [hbm:s21], $0xC80  }
0x13: {  	_ =	swait.ge [sflag:s12], $0xC80  }
0x14: {  	[sflag:s12] =	ssyncset.done $0x0  }
0x15: {  	[sflag:s12] =	ssyncadd.s32 $0xFFFFF380  }
0x16: {  	[tilespmem:s13], [sflag:$0x3] =	stream.linear.gather [hbm4b:s7+s4], $0x2710, $0x38;
	[tilespmem:$0x11620] =	vst v63  }
0x17: {  	_ =	swait.ge [sflag:s12], $0x2710  }
0x18: {  	[sflag:s12] =	ssyncset.done $0x0  }
0x19: {  	[sflag:s12] =	ssyncadd.s32 $0xFFFFD8F0  }
0x1a: {  	[tilespmem:s14], [sflag:$0x3] =	stream.linear.gather [hbm4b:s8+s4], $0x2710, $0x38;
	[tilespmem:$0x11620] =	vst v63  }
0x1b: {  	_ =	swait.ge [sflag:s12], $0x2710  }
0x1c: {  	[sflag:s12] =	ssyncset.done $0x0  }
0x1d: {  	[sflag:s12] =	ssyncadd.s32 $0xFFFFD8F0  }
0x1e: {  	[bflag:$0x0] =	sbarrier.arrive $0xFFFF  }
0x1f: {  	[tilespmem:s16], [sflag:$0x1] =	stream.indirect.gather [hbm4b:s5+s15], $0x28, s13, s15, $0xb8;
	[tilespmem:$0x11620] =	vst v63  }
0x20: {  	s23 =	simm.s32 $0x6450  }
0x21: {  	[tilespmem:s18], [sflag:$0x1] =	stream.indirect.gather [hbm4b:s5+s15], $0x28, s23, s15, $0xb8;
	[tilespmem:$0x11620] =	vst v63  }
0x22: {  	s24 =	simm.s32 $0x64A0  }
0x23: {  	[tilespmem:s20], [sflag:$0x1] =	stream.indirect.gather [hbm4b:s5+s15], $0x28, s24, s15, $0xb8;
	[tilespmem:$0x11620] =	vst v63  }
0x24: {  	s26 =	simm.s32 $0x64F0;
	s22 =	simm.s32 $0xD7A0  }
0x25: {  	[tilespmem:s22], [sflag:$0x1] =	stream.indirect.gather [hbm4b:s5+s15], $0x28, s26, s15, $0xb8;
	[tilespmem:$0x11620] =	vst v63  }
0x26: {  	s28 =	simm.s32 $0x6540;
	s29 =	simm.s32 $0xE420  }
0x27: {  	[tilespmem:s29], [sflag:$0x1] =	stream.indirect.gather [hbm4b:s5+s15], $0x28, s28, s15, $0xb8;
	[tilespmem:$0x11620] =	vst v63  }
0x28: {  	_ =	swait.ge [sflag:s25], $0xC80  }
0x29: {  	[sflag:s25] =	ssyncset.done $0x0  }
0x2a: {  	s23 =	simm.s32 $0x6590;
	s24 =	simm.s32 $0xF0A0;
	[sflag:s25] =	ssyncadd.s32 $0xFFFFF380  }
0x2b: {  	[tilespmem:s24], [sflag:$0x1] =	stream.indirect.gather [hbm4b:s5+s15], $0x28, s23, s15, $0xb8;
	[tilespmem:$0x11620] =	vst v63  }
0x2c: {  	_ = 	snop  }
0x2d: {  	[spmem:s3] =	stream.indirect.scatter.add.f32 [tilespmem:s16], [sflag:$0x2], $0x28, s14, s15, $0xb8;
	[tilespmem:$0x11620] =	vst v63  }
0x2e: {  	_ =	swait.ge [sflag:s25], $0xC80  }
0x2f: {  	[sflag:s25] =	ssyncset.done $0x0  }
0x30: {  	s26 =	simm.s32 $0x65E0;
	[sflag:s25] =	ssyncadd.s32 $0xFFFFF380  }
0x31: {  	[tilespmem:s30], [sflag:$0x1] =	stream.indirect.gather [hbm4b:s5+s15], $0x28, s26, s15, $0xb8;
	[tilespmem:$0x11620] =	vst v63  }
0x32: {  	_ = 	snop  }
0x33: {  	[spmem:s3] =	stream.indirect.scatter.add.f32 [tilespmem:s18], [sflag:$0x2], $0x28, s31, s15, $0xb8;
	[tilespmem:$0x11620] =	vst v63  }
0x34: {  	_ =	swait.ge [sflag:s25], $0xC80  }
0x35: {  	[sflag:s25] =	ssyncset.done $0x0  }
0x36: {  	p0 =	por $0x0, $0x0;
	s21 =	simm.s32 $0x8;
	[sflag:s25] =	ssyncadd.s32 $0xFFFFF380  }
0x37: {  	[tilespmem:s1], [sflag:$0x1] =	stream.indirect.gather [hbm4b:s5+s15], $0x28, s0, s15, $0xb8;
	[tilespmem:$0x11620] =	vst v63  }
0x38: {  	s21 =	sand.u32 @!p0 $0x7, s21  }
0x39: {  	[spmem:s3] =	stream.indirect.scatter.add.f32 [tilespmem:s20], [sflag:$0x2], $0x28, s2, s15, $0xb8;
	[tilespmem:$0x11620] =	vst v63  }
0x3a: {  	s21 =	smul.u32 @!p0 $0x3200, s21;
	s28 =	simm.s32 $0x3;
	_ =	swait.ge [sflag:s25], $0xC80  }
0x3b: {  	s22 =	sand.u32 $0x7, s28;
	[sflag:s25] =	ssyncset.done $0x0  }
0x3c: {  	s21 =	sshrl.u32 @!p0 s21, $0x2;
	s24 =	smul.u32 $0x3200, s22;
	[sflag:s25] =	ssyncadd.s32 $0xFFFFF380  }
0x3d: {  	s21 =	sadd.s32 @!p0 $0xB220, s21;
	s23 =	simm.s32 $0x6680;
	_ =	swait.ge [sflag:s17], $0xC80  }
0x3e: {  	s22 =	simm.s32 @!p0 $0x50;
	s29 =	sshrl.u32 s24, $0x2;
	[sflag:s17] =	ssyncset.done $0x0  }
0x3f: {  	s24 =	simm.s32 $0x66D0;
	s26 =	sadd.s32 $0xB220, s29;
	[sflag:s17] =	ssyncadd.s32 $0xFFFFF380  }
0x40: {  	[tilespmem:s21], [sflag:$0x1] =	stream.indirect.gather @!p0 [hbm4b:s5+s22], $0x28, s23, s22, $0xb8;
	[tilespmem:$0x11620] =	vst v63  }
0x41: {  	s21 =	simm.s32 $0x8C00;
	s22 =	simm.s32 $0x9;
	s23 =	simm.s32 $0x8C50  }
.LBB2_2:
0x42: {  	[spmem:s3] =	stream.indirect.scatter.add.f32 [tilespmem:s26], [sflag:$0x2], $0x28, s21, s15, $0xb8;
	[tilespmem:$0x11620] =	vst v63  }
0x43: {  	s26 =	smov.u32 s22;
	s21 =	smov.u32 s23  }
0x44: {  	s22 =	sadd.s32 $0x1, s22;
	s28 =	sadd.s32 $0xFFFFFFFB, s26;
	_ =	swait.ge [sflag:s25], $0xC80  }
0x45: {  	s29 =	sand.u32 $0x7, s28;
	[sflag:s25] =	ssyncset.done $0x0;
	p0 =	sgt.u32 s28, $0x77  }
0x46: {  	s28 =	smul.u32 $0x3200, s29;
	[sflag:s25] =	ssyncadd.s32 $0xFFFFF380;
	s26 =	sand.u32 @!p0 $0x7, s26  }
0x47: {  	p1 =	sne.s32 s22, $0x82;
	_ =	swait.ge [sflag:s17], $0xC80;
	s26 =	smul.u32 @!p0 $0x3200, s26  }
.Ltmp0:
0x48: {  	s28 =	sshrl.u32 s28, $0x2;
	[sflag:s17] =	ssyncset.done $0x0;
	(pc) =	sbr.rel @p1 .LBB2_2-.Ltmp0, $4  }
0x49: {  	[sflag:s17] =	ssyncadd.s32 $0xFFFFF380;
	s26 =	sshrl.u32 @!p0 s26, $0x2  }
0x4a: {  	s29 =	simm.s32 @!p0 $0x50;
	s26 =	sadd.s32 @!p0 $0xB220, s26  }
0x4b: {  	[tilespmem:s26], [sflag:$0x1] =	stream.indirect.gather @!p0 [hbm4b:s5+s29], $0x28, s24, s29, $0xb8;
	[tilespmem:$0x11620] =	vst v63  }
0x4c: {  	s23 =	sadd.s32 $0x50, s23;
	s26 =	sadd.s32 $0xB220, s28;
	s24 =	sadd.s32 $0x50, s24  }
0x4d: {  	[spmem:s3] =	stream.indirect.scatter.add.f32 [tilespmem:s26], [sflag:$0x2], $0x28, s21, s15, $0xb8;
	[tilespmem:$0x11620] =	vst v63  }
0x4e: {  	_ =	swait.ge [sflag:s17], $0xC80  }
0x4f: {  	[sflag:s17] =	ssyncset.done $0x0  }
0x50: {  	[sflag:s17] =	ssyncadd.s32 $0xFFFFF380  }
0x51: {  	_ =	swait.ge [sflag:s17], $0xC80  }
0x52: {  	[sflag:s17] =	ssyncset.done $0x0  }
0x53: {  	[sflag:s17] =	ssyncadd.s32 $0xFFFFF380  }
0x54: {  	_ =	swait.ge [sflag:s17], $0xC80  }
0x55: {  	s19 =	sadd.s32 $0x1, s19;
	[sflag:s17] =	ssyncset.done $0x0  }
0x56: {  	p0 =	sne.s32 s19, s10;
	[sflag:s17] =	ssyncadd.s32 $0xFFFFF380  }
.Ltmp1:
0x57: {  	[bflag:$0x0] =	sbarrier.arrive $0xFFFF;
	(pc) =	sbr.rel @p0 .LBB2_1-.Ltmp1, $4  }
0x58: {  	[hbm:s9], [sflag:s6] =	dma.local [spmem:s11], $0xC80  }
0x59: {  	_ =	swait.ge [sflag:s12], $0xC80  }
0x5a: {  	[sflag:s12] =	ssyncset.done $0x0  }
0x5b: {  	[sflag:s12] =	ssyncadd.s32 $0xFFFFF380  }
0x5c: {  	_ =	sfence.sel $0x180000  }
0x5d: {  	[bflag:$0x0] =	sbarrier.arrive $0xFFFF  }
0x5e: {  	_ =	strace $0x9000004A  }
0x5f: {  	s0 =	stileid.u32;
	[bflag:$0x2] =	sbarrier.arrive $0xFFFF  }
0x60: {  	p0 =	sne.s32 s0, $0x0;
	s0 =	rddreg [dreg:$0x3]  }
0x61: {  	s0 =	sadd.s32 @!p0 $0x100000, s0  }
0x62: {  	[sflag:s0] =	ssyncadd.tile.s32 @!p0 $0x1;
	_ =	shalt  }
.Lfunc_end2:
_tile_overlayer_lowered:
.L_overlay_start_2:
0x63: {  	(tag) =	ssettag $0x2  }
0x64: {  	s0 =	rddreg [dreg:$0x0];
	s2 =	stileid.u32  }
0x65: {  	s1 =	rddreg [dreg:$0x1];
	p0 =	sne.s32 s2, $0x0  }
0x66: {  	s3 =	rddreg [dreg:$0x2];
	[bflag:$0x3] =	sbarrier.arrive $0xFFFF;
	s2 =	simm.s32 @!p0 $0x1C03  }
0x67: {  	[timem:s3], [sflag:s2] =	dma.local @!p0 [hbm:s0], s1  }
0x68: {  	s0 =	simm.s32 @!p0 $0x3  }
0x69: {  	_ =	swait.ge @!p0 [sflag:s0], s1  }
0x6a: {  	s1 =	ssub.s32 @!p0 $0x0, s1;
	[sflag:s0] =	ssyncset.done @!p0 $0x0  }
0x6b: {  	[sflag:s0] =	ssyncadd.s32 @!p0 s1  }
0x6c: {  	[bflag:$0x3] =	sbarrier.arrive $0xFFFF  }
0x6d: {  	_ =	shalt  }

</sc_bundles>
